<compile_context>
chip_gen: v7x
topology: tpu7x:2x2x1
jax: 0.10.2.dev20260603
libtpu: 0.0.44.dev20260713+nightly
codegen_flags: <defaults>
</compile_context>

<pallas_src>
import functools

import jax
import jax.numpy as jnp
from jax import lax
from jax.experimental import pallas as pl
from jax.experimental.pallas import tpu as pltpu
from jax.experimental.pallas import tpu_sc as plsc

B = 128
N = 100000
K = 32

TCB = 8
C = 512
NCC = (N + C - 1) // C
CMW = 256

NW = 32
RPW = B // NW
VPC = C // 16
CAP = 128
CBUF = CAP + 32
NCV = CBUF // 16
GCAP = NCC


def _tc_body(x_ref, z_ref, m_ref):
    z_ref[...] = jnp.zeros_like(z_ref)
    lane = lax.broadcasted_iota(jnp.int32, (TCB, 128), 1)
    colit = lax.broadcasted_iota(jnp.int32, (TCB, CMW), 1)

    def _ck(j, acc):
        col0 = j * C
        m = None
        for t in range(C // 128):
            col = col0 + t * 128
            v = x_ref[:, pl.ds(col, 128)]
            va = jnp.where(col + lane < N, jnp.abs(v), -1.0)
            m = va if m is None else jnp.maximum(m, va)
        s = jnp.max(m, axis=1, keepdims=True)
        return jnp.where(colit == j, s, acc)

    acc = lax.fori_loop(0, NCC, _ck,
                        jnp.full((TCB, CMW), -1.0, jnp.float32))
    m_ref[...] = acc


_tc_call = pl.pallas_call(
    _tc_body,
    grid=(B // TCB,),
    in_specs=[pl.BlockSpec((TCB, N), lambda i: (i, 0))],
    out_specs=[pl.BlockSpec((TCB, N), lambda i: (i, 0)),
               pl.BlockSpec((TCB, CMW), lambda i: (i, 0))],
    out_shape=[jax.ShapeDtypeStruct((B, N), jnp.float32),
               jax.ShapeDtypeStruct((B, CMW), jnp.float32)],
)


def _sc_body(x_hbm, cm_hbm, out_ref, cmb, selb, gbuf, cid, ca, cx, ci,
             ta, tx, ti, wv, wi, cnt_s, thr_s, aux_s, sg, ssc):
    wid = lax.axis_index("s") * 2 + lax.axis_index("c")
    iota = lax.iota(jnp.int32, 16)
    row0 = wid * RPW

    def reselect():
        cnt = cnt_s[0]

        def _pad(j, _):
            idxv = j * 16 + iota
            v = ca[pl.ds(j * 16, 16)]
            ca[pl.ds(j * 16, 16)] = jnp.where(idxv < cnt, v, -1.0)
            return 0
        lax.fori_loop(0, NCV, _pad, 0)

        def _sel(s, _):
            def _mx(j, m):
                return jnp.maximum(m, ca[pl.ds(j * 16, 16)])
            m = lax.fori_loop(0, NCV, _mx,
                              jnp.full((16,), -2.0, jnp.float32))
            g = jnp.max(m)

            def _find(j, best):
                eq = ca[pl.ds(j * 16, 16)] == g
                cand = jnp.where(eq, j * 16 + iota, jnp.int32(CBUF))
                return jnp.minimum(best, cand)
            bestv = lax.fori_loop(0, NCV, _find,
                                  jnp.full((16,), CBUF, jnp.int32))
            pos = jnp.min(bestv)
            lane0 = iota == 0
            posv = jnp.full((16,), pos, jnp.int32)
            sv = jnp.full((16,), s, jnp.int32)
            plsc.store_scatter(ta, [sv], jnp.full((16,), g, jnp.float32),
                               mask=lane0)
            plsc.store_scatter(tx, [sv], plsc.load_gather(cx, [posv]),
                               mask=lane0)
            plsc.store_scatter(ti, [sv], plsc.load_gather(ci, [posv]),
                               mask=lane0)
            plsc.store_scatter(ca, [posv],
                               jnp.full((16,), -2.0, jnp.float32),
                               mask=lane0)
            return 0
        lax.fori_loop(0, K, _sel, 0)

        for j in range(K // 16):
            sl = pl.ds(j * 16, 16)
            ca[sl] = ta[sl]
            cx[sl] = tx[sl]
            ci[sl] = ti[sl]
        thr_s[0] = ta[pl.ds(K - 16, 16)][15]
        cnt_s[0] = jnp.int32(K)

    def do_row(r, _):
        row = row0 + r
        base = row * N

        pltpu.sync_copy(cm_hbm.at[pl.ds(row * CMW, CMW)], cmb)
        for j in range(CMW // 16):
            sl = pl.ds(j * 16, 16)
            selb[sl] = cmb[sl]

        def _tsel(s, _):
            def _mx(j, m):
                return jnp.maximum(m, selb[pl.ds(j * 16, 16)])
            m = lax.fori_loop(0, CMW // 16, _mx,
                              jnp.full((16,), -2.0, jnp.float32))
            g = jnp.max(m)

            def _find(j, best):
                eq = selb[pl.ds(j * 16, 16)] == g
                cand = jnp.where(eq, j * 16 + iota, jnp.int32(CMW))
                return jnp.minimum(best, cand)
            bestv = lax.fori_loop(0, CMW // 16, _find,
                                  jnp.full((16,), CMW, jnp.int32))
            posv = jnp.full((16,), jnp.min(bestv), jnp.int32)
            plsc.store_scatter(selb, [posv],
                               jnp.full((16,), -2.0, jnp.float32),
                               mask=iota == 0)
            thr_s[1] = g
            return 0
        lax.fori_loop(0, K, _tsel, 0)
        tlb = thr_s[1]

        tv = jnp.full((16,), tlb, jnp.float32)
        tp = plsc.bitcast(plsc.bitcast(tv, jnp.int32) - 1, jnp.float32)
        tinit = jnp.where(tv > 0, tp, jnp.full((16,), -1.0, jnp.float32))
        thr_s[0] = tinit[0]
        cnt_s[0] = jnp.int32(0)

        aux_s[0] = jnp.int32(0)
        for j in range(CMW // 16):
            mv = cmb[pl.ds(j * 16, 16)] >= tlb
            ncv_ = jnp.sum(jnp.where(mv, 1, 0).astype(jnp.int32))
            cc = aux_s[0]
            plsc.store_compressed(cid.at[pl.ds(cc, 16)], j * 16 + iota,
                                  mask=mv)
            aux_s[0] = cc + ncv_
        ccnt = aux_s[0]

        def _g(q, _):
            cq = plsc.load_gather(cid, [jnp.full((16,), q, jnp.int32)])[0]
            off = jnp.where(cq == NCC - 1, N - C, cq * C)
            pltpu.async_copy(x_hbm.at[pl.ds(base + off, C)],
                             gbuf.at[pl.ds(q * C, C)], sg)
            return 0
        lax.fori_loop(0, ccnt, _g, 0)

        def _d(q, _):
            pltpu.make_async_copy(x_hbm.at[pl.ds(base, C)],
                                  gbuf.at[pl.ds(0, C)], sg).wait()
            return 0
        lax.fori_loop(0, ccnt, _d, 0)

        def _pc(q, _):
            cq = plsc.load_gather(cid, [jnp.full((16,), q, jnp.int32)])[0]
            col0w = jnp.where(cq == NCC - 1, N - C, cq * C)
            cstart = cq * C

            def _pv(k, _):
                v = gbuf[pl.ds(q * C + k * 16, 16)]
                a = jnp.abs(v)
                colv = col0w + k * 16 + iota
                m = jnp.logical_and(a > thr_s[0], colv >= cstart)
                npass = jnp.sum(jnp.where(m, 1, 0).astype(jnp.int32))

                @pl.when(npass > 0)
                def _():
                    cnt = cnt_s[0]
                    plsc.store_compressed(ca.at[pl.ds(cnt, 16)], a, mask=m)
                    plsc.store_compressed(cx.at[pl.ds(cnt, 16)], v, mask=m)
                    plsc.store_compressed(ci.at[pl.ds(cnt, 16)], colv,
                                          mask=m)
                    cnt_s[0] = cnt + npass

                    @pl.when(cnt + npass >= CAP)
                    def _():
                        reselect()
                return 0
            lax.fori_loop(0, VPC, _pv, 0)
            return 0
        lax.fori_loop(0, ccnt, _pc, 0)

        reselect()

        x0 = tx[pl.ds(0, 16)]
        x1 = tx[pl.ds(16, 16)]
        ls0 = 1.0 / (1.0 + jnp.exp(-x0)) - 0.5
        ls1 = 1.0 / (1.0 + jnp.exp(-x1)) - 0.5
        ssum = jnp.sum(jnp.abs(ls0)) + jnp.sum(jnp.abs(ls1))
        den = jnp.full((16,), ssum, jnp.float32) + 1e-8
        wi[pl.ds(0, 16)] = base + ti[pl.ds(0, 16)]
        wi[pl.ds(16, 16)] = base + ti[pl.ds(16, 16)]
        wv[pl.ds(0, 16)] = ls0 / den
        wv[pl.ds(16, 16)] = ls1 / den

        pltpu.async_copy(wv, out_ref.at[wi], ssc).wait()
        return 0
    lax.fori_loop(0, RPW, do_row, 0)


_sc_call = pl.kernel(
    _sc_body,
    out_type=(),
    mesh=plsc.VectorSubcoreMesh(core_axis_name="c", subcore_axis_name="s"),
    compiler_params=pltpu.CompilerParams(needs_layout_passes=False),
    scratch_types=[
        pltpu.VMEM((CMW,), jnp.float32),
        pltpu.VMEM((CMW,), jnp.float32),
        pltpu.VMEM((GCAP * C,), jnp.float32),
        pltpu.VMEM((CMW + 16,), jnp.int32),
        pltpu.VMEM((CBUF,), jnp.float32),
        pltpu.VMEM((CBUF,), jnp.float32),
        pltpu.VMEM((CBUF,), jnp.int32),
        pltpu.VMEM((K,), jnp.float32),
        pltpu.VMEM((K,), jnp.float32),
        pltpu.VMEM((K,), jnp.int32),
        pltpu.VMEM((K,), jnp.float32),
        pltpu.VMEM((K,), jnp.int32),
        pltpu.SMEM((4,), jnp.int32),
        pltpu.SMEM((4,), jnp.float32),
        pltpu.SMEM((4,), jnp.int32),
        pltpu.SemaphoreType.DMA,
        pltpu.SemaphoreType.DMA,
    ],
)


@jax.jit
def kernel(signal_features):
    zeros_out, cmax = _tc_call(signal_features)
    zref = jax.new_ref(zeros_out.reshape(B * N))
    _sc_call(signal_features.reshape(B * N), cmax.reshape(B * CMW), zref)
    return zref[...].reshape(B, N)

# --- scband reference (transcript-rebuilt; emitter-appended) ---
"""Pipeline reference for scband-signal-predictor-allocator-53790170415394 (READ-ONLY COPY).

The authoritative reference and input builder live on the scoring server;
editing this copy changes nothing except your own understanding.
"""

import jax, jax.numpy as jnp
import numpy as np

B = 128
N = 100000
K = 32  # trade_asset_count
ALLOW_SHORT = True


def setup_inputs(seed: int = 0) -> dict:
    key = jax.random.key(seed)
    signal_features = jax.random.normal(key, (B, N), dtype=jnp.float32)
    return {"signal_features": signal_features}


def reference(signal_features):
    # signal_predictor is an elementwise sigmoid head producing scores in [0, 1]
    signal_repr = jax.nn.sigmoid(signal_features)
    ls_score = signal_repr - 0.5
    rank_score = jnp.abs(ls_score) if ALLOW_SHORT else ls_score
    _, top_idx = jax.lax.top_k(rank_score, K)  # [B, K]
    # scatter True into a boolean mask at the top-k positions (dim=1)
    rows = jnp.arange(B, dtype=jnp.int32)[:, None]  # [B, 1]
    mask = jnp.zeros((B, N), dtype=jnp.bool_).at[rows, top_idx].set(True)
    selected = jnp.where(mask, ls_score, jnp.zeros_like(ls_score))
    action = selected / (jnp.abs(selected).sum(axis=1, keepdims=True) + 1e-08)
    return action

if __name__ == "__main__":
    import jax
    _d = setup_inputs()
    print(jax.jit(kernel)(*tuple(_d.values())))

</pallas_src>

<mosaic_0001>
#map = affine_map<(d0, d1) -> (0)>
module attributes {stable_mosaic.version = 14 : i64} {
  func.func @new_body(%arg0: i32, %arg1: i32, %arg2: memref<12800000xf32, #tpu.memory_space<hbm>>, %arg3: memref<32768xf32, #tpu.memory_space<hbm>>, %arg4: memref<12800000xf32, #tpu.memory_space<hbm>>, %arg5: memref<12800000xf32, #tpu.memory_space<hbm>>, %arg6: memref<256xf32, #tpu.memory_space<vmem>>, %arg7: memref<256xf32, #tpu.memory_space<vmem>>, %arg8: memref<100352xf32, #tpu.memory_space<vmem>>, %arg9: memref<272xi32, #tpu.memory_space<vmem>>, %arg10: memref<160xf32, #tpu.memory_space<vmem>>, %arg11: memref<160xf32, #tpu.memory_space<vmem>>, %arg12: memref<160xi32, #tpu.memory_space<vmem>>, %arg13: memref<32xf32, #tpu.memory_space<vmem>>, %arg14: memref<32xf32, #tpu.memory_space<vmem>>, %arg15: memref<32xi32, #tpu.memory_space<vmem>>, %arg16: memref<32xf32, #tpu.memory_space<vmem>>, %arg17: memref<32xi32, #tpu.memory_space<vmem>>, %arg18: memref<4xi32, #tpu.memory_space<smem>>, %arg19: memref<4xf32, #tpu.memory_space<smem>>, %arg20: memref<4xi32, #tpu.memory_space<smem>>, %arg21: memref<!tpu.dma_semaphore, #tpu.memory_space<semaphore_mem>>, %arg22: memref<!tpu.dma_semaphore, #tpu.memory_space<semaphore_mem>>) attributes {dimension_semantics = [#tpu.dimension_semantics<core_parallel>, #tpu.dimension_semantics<subcore_parallel>], iteration_bounds = array<i64: 2, 16>, scalar_prefetch = 0 : i64, scratch_operands = 17 : i64, tpu.core_type = #tpu.core_type<sc_vector_subcore>, window_params = [{transform_indices = #map}, {transform_indices = #map}, {transform_indices = #map}, {transform_indices = #map}]} {
    %mul3A = arith.constant 2 : i32
    %mul3A_0 = arith.muli %arg1, %mul3A : i32
    %add3A = arith.addi %mul3A_0, %arg0 : i32
    %iota3A = tpu.iota {dimensions = array<i32: 0>} : vector<16xi32>
    %mul3A_1 = arith.constant 4 : i32
    %mul3A_2 = arith.muli %add3A, %mul3A_1 : i32
    %scan3A = arith.constant 0 : i32
    %scan3A_3 = arith.constant 0 : i32
    %scan3A_4 = arith.constant 4 : i32
    %scan3A_5 = arith.addi %scan3A_3, %scan3A_4 : i32
    %scan3A_6 = arith.constant 1 : i32
    %scan3A_7 = scf.for %scan3A_9 = %scan3A_3 to %scan3A_5 step %scan3A_6 iter_args(%scan3A_10 = %scan3A) -> (i32)  : i32 {
      %add3A_11 = arith.addi %mul3A_2, %scan3A_9 : i32
      %mul3A_12 = arith.constant 100000 : i32
      %mul3A_13 = arith.muli %add3A_11, %mul3A_12 : i32
      %mul3A_14 = arith.constant 256 : i32
      %mul3A_15 = arith.muli %add3A_11, %mul3A_14 : i32
      "tpu.region"() ({
        %run_scoped3A = tpu.sem_alloc : memref<!tpu.dma_semaphore, #tpu.memory_space<semaphore_mem>>
        %dma_start3A_655 = tpu.memref_slice %arg3[%mul3A_15] : memref<32768xf32, #tpu.memory_space<hbm>> -> memref<256xf32, #tpu.memory_space<hbm>>
        %dma_start3A_656 = tpu.memref_slice %arg3[%mul3A_15] : memref<32768xf32, #tpu.memory_space<hbm>> -> memref<256xf32, #tpu.memory_space<hbm>>
        tpu.enqueue_dma source(%dma_start3A_656 : memref<256xf32, #tpu.memory_space<hbm>>) target(%arg6 : memref<256xf32, #tpu.memory_space<vmem>>) target_semaphore(%run_scoped3A : memref<!tpu.dma_semaphore, #tpu.memory_space<semaphore_mem>>)
        %dma_wait3A_657 = tpu.memref_slice %arg3[%mul3A_15] : memref<32768xf32, #tpu.memory_space<hbm>> -> memref<256xf32, #tpu.memory_space<hbm>>
        %dma_wait3A_658 = tpu.memref_slice %arg3[%mul3A_15] : memref<32768xf32, #tpu.memory_space<hbm>> -> memref<256xf32, #tpu.memory_space<hbm>>
        tpu.wait_dma2 semaphore(%run_scoped3A : memref<!tpu.dma_semaphore, #tpu.memory_space<semaphore_mem>>) src(%dma_wait3A_658 : memref<256xf32, #tpu.memory_space<hbm>>) dst(%arg6 : memref<256xf32, #tpu.memory_space<vmem>>)
        tpu.yield
      }) : () -> ()
      %get3A = arith.constant 0 : index
      %get3A_16 = tpu.vector_load %arg6[%get3A] {strides = array<i32>} : memref<256xf32, #tpu.memory_space<vmem>>, vector<16xf32>,
      %swap3A = arith.constant 0 : index
      %swap3A_17 = tpu.vector_load %arg7[%swap3A] {strides = array<i32>} : memref<256xf32, #tpu.memory_space<vmem>>, vector<16xf32>,
      tpu.vector_store %arg7[%swap3A], %get3A_16 {strides = array<i32>} : memref<256xf32, #tpu.memory_space<vmem>>, vector<16xf32>,
      %get3A_18 = arith.constant 16 : index
      %get3A_19 = tpu.vector_load %arg6[%get3A_18] {strides = array<i32>} : memref<256xf32, #tpu.memory_space<vmem>>, vector<16xf32>,
      %swap3A_20 = arith.constant 16 : index
      %swap3A_21 = tpu.vector_load %arg7[%swap3A_20] {strides = array<i32>} : memref<256xf32, #tpu.memory_space<vmem>>, vector<16xf32>,
      tpu.vector_store %arg7[%swap3A_20], %get3A_19 {strides = array<i32>} : memref<256xf32, #tpu.memory_space<vmem>>, vector<16xf32>,
      %get3A_22 = arith.constant 32 : index
      %get3A_23 = tpu.vector_load %arg6[%get3A_22] {strides = array<i32>} : memref<256xf32, #tpu.memory_space<vmem>>, vector<16xf32>,
      %swap3A_24 = arith.constant 32 : index
      %swap3A_25 = tpu.vector_load %arg7[%swap3A_24] {strides = array<i32>} : memref<256xf32, #tpu.memory_space<vmem>>, vector<16xf32>,
      tpu.vector_store %arg7[%swap3A_24], %get3A_23 {strides = array<i32>} : memref<256xf32, #tpu.memory_space<vmem>>, vector<16xf32>,
      %get3A_26 = arith.constant 48 : index
      %get3A_27 = tpu.vector_load %arg6[%get3A_26] {strides = array<i32>} : memref<256xf32, #tpu.memory_space<vmem>>, vector<16xf32>,
      %swap3A_28 = arith.constant 48 : index
      %swap3A_29 = tpu.vector_load %arg7[%swap3A_28] {strides = array<i32>} : memref<256xf32, #tpu.memory_space<vmem>>, vector<16xf32>,
      tpu.vector_store %arg7[%swap3A_28], %get3A_27 {strides = array<i32>} : memref<256xf32, #tpu.memory_space<vmem>>, vector<16xf32>,
      %get3A_30 = arith.constant 64 : index
      %get3A_31 = tpu.vector_load %arg6[%get3A_30] {strides = array<i32>} : memref<256xf32, #tpu.memory_space<vmem>>, vector<16xf32>,
      %swap3A_32 = arith.constant 64 : index
      %swap3A_33 = tpu.vector_load %arg7[%swap3A_32] {strides = array<i32>} : memref<256xf32, #tpu.memory_space<vmem>>, vector<16xf32>,
      tpu.vector_store %arg7[%swap3A_32], %get3A_31 {strides = array<i32>} : memref<256xf32, #tpu.memory_space<vmem>>, vector<16xf32>,
      %get3A_34 = arith.constant 80 : index
      %get3A_35 = tpu.vector_load %arg6[%get3A_34] {strides = array<i32>} : memref<256xf32, #tpu.memory_space<vmem>>, vector<16xf32>,
      %swap3A_36 = arith.constant 80 : index
      %swap3A_37 = tpu.vector_load %arg7[%swap3A_36] {strides = array<i32>} : memref<256xf32, #tpu.memory_space<vmem>>, vector<16xf32>,
      tpu.vector_store %arg7[%swap3A_36], %get3A_35 {strides = array<i32>} : memref<256xf32, #tpu.memory_space<vmem>>, vector<16xf32>,
      %get3A_38 = arith.constant 96 : index
      %get3A_39 = tpu.vector_load %arg6[%get3A_38] {strides = array<i32>} : memref<256xf32, #tpu.memory_space<vmem>>, vector<16xf32>,
      %swap3A_40 = arith.constant 96 : index
      %swap3A_41 = tpu.vector_load %arg7[%swap3A_40] {strides = array<i32>} : memref<256xf32, #tpu.memory_space<vmem>>, vector<16xf32>,
      tpu.vector_store %arg7[%swap3A_40], %get3A_39 {strides = array<i32>} : memref<256xf32, #tpu.memory_space<vmem>>, vector<16xf32>,
      %get3A_42 = arith.constant 112 : index
      %get3A_43 = tpu.vector_load %arg6[%get3A_42] {strides = array<i32>} : memref<256xf32, #tpu.memory_space<vmem>>, vector<16xf32>,
      %swap3A_44 = arith.constant 112 : index
      %swap3A_45 = tpu.vector_load %arg7[%swap3A_44] {strides = array<i32>} : memref<256xf32, #tpu.memory_space<vmem>>, vector<16xf32>,
      tpu.vector_store %arg7[%swap3A_44], %get3A_43 {strides = array<i32>} : memref<256xf32, #tpu.memory_space<vmem>>, vector<16xf32>,
      %get3A_46 = arith.constant 128 : index
      %get3A_47 = tpu.vector_load %arg6[%get3A_46] {strides = array<i32>} : memref<256xf32, #tpu.memory_space<vmem>>, vector<16xf32>,
      %swap3A_48 = arith.constant 128 : index
      %swap3A_49 = tpu.vector_load %arg7[%swap3A_48] {strides = array<i32>} : memref<256xf32, #tpu.memory_space<vmem>>, vector<16xf32>,
      tpu.vector_store %arg7[%swap3A_48], %get3A_47 {strides = array<i32>} : memref<256xf32, #tpu.memory_space<vmem>>, vector<16xf32>,
      %get3A_50 = arith.constant 144 : index
      %get3A_51 = tpu.vector_load %arg6[%get3A_50] {strides = array<i32>} : memref<256xf32, #tpu.memory_space<vmem>>, vector<16xf32>,
      %swap3A_52 = arith.constant 144 : index
      %swap3A_53 = tpu.vector_load %arg7[%swap3A_52] {strides = array<i32>} : memref<256xf32, #tpu.memory_space<vmem>>, vector<16xf32>,
      tpu.vector_store %arg7[%swap3A_52], %get3A_51 {strides = array<i32>} : memref<256xf32, #tpu.memory_space<vmem>>, vector<16xf32>,
      %get3A_54 = arith.constant 160 : index
      %get3A_55 = tpu.vector_load %arg6[%get3A_54] {strides = array<i32>} : memref<256xf32, #tpu.memory_space<vmem>>, vector<16xf32>,
      %swap3A_56 = arith.constant 160 : index
      %swap3A_57 = tpu.vector_load %arg7[%swap3A_56] {strides = array<i32>} : memref<256xf32, #tpu.memory_space<vmem>>, vector<16xf32>,
      tpu.vector_store %arg7[%swap3A_56], %get3A_55 {strides = array<i32>} : memref<256xf32, #tpu.memory_space<vmem>>, vector<16xf32>,
      %get3A_58 = arith.constant 176 : index
      %get3A_59 = tpu.vector_load %arg6[%get3A_58] {strides = array<i32>} : memref<256xf32, #tpu.memory_space<vmem>>, vector<16xf32>,
      %swap3A_60 = arith.constant 176 : index
      %swap3A_61 = tpu.vector_load %arg7[%swap3A_60] {strides = array<i32>} : memref<256xf32, #tpu.memory_space<vmem>>, vector<16xf32>,
      tpu.vector_store %arg7[%swap3A_60], %get3A_59 {strides = array<i32>} : memref<256xf32, #tpu.memory_space<vmem>>, vector<16xf32>,
      %get3A_62 = arith.constant 192 : index
      %get3A_63 = tpu.vector_load %arg6[%get3A_62] {strides = array<i32>} : memref<256xf32, #tpu.memory_space<vmem>>, vector<16xf32>,
      %swap3A_64 = arith.constant 192 : index
      %swap3A_65 = tpu.vector_load %arg7[%swap3A_64] {strides = array<i32>} : memref<256xf32, #tpu.memory_space<vmem>>, vector<16xf32>,
      tpu.vector_store %arg7[%swap3A_64], %get3A_63 {strides = array<i32>} : memref<256xf32, #tpu.memory_space<vmem>>, vector<16xf32>,
      %get3A_66 = arith.constant 208 : index
      %get3A_67 = tpu.vector_load %arg6[%get3A_66] {strides = array<i32>} : memref<256xf32, #tpu.memory_space<vmem>>, vector<16xf32>,
      %swap3A_68 = arith.constant 208 : index
      %swap3A_69 = tpu.vector_load %arg7[%swap3A_68] {strides = array<i32>} : memref<256xf32, #tpu.memory_space<vmem>>, vector<16xf32>,
      tpu.vector_store %arg7[%swap3A_68], %get3A_67 {strides = array<i32>} : memref<256xf32, #tpu.memory_space<vmem>>, vector<16xf32>,
      %get3A_70 = arith.constant 224 : index
      %get3A_71 = tpu.vector_load %arg6[%get3A_70] {strides = array<i32>} : memref<256xf32, #tpu.memory_space<vmem>>, vector<16xf32>,
      %swap3A_72 = arith.constant 224 : index
      %swap3A_73 = tpu.vector_load %arg7[%swap3A_72] {strides = array<i32>} : memref<256xf32, #tpu.memory_space<vmem>>, vector<16xf32>,
      tpu.vector_store %arg7[%swap3A_72], %get3A_71 {strides = array<i32>} : memref<256xf32, #tpu.memory_space<vmem>>, vector<16xf32>,
      %get3A_74 = arith.constant 240 : index
      %get3A_75 = tpu.vector_load %arg6[%get3A_74] {strides = array<i32>} : memref<256xf32, #tpu.memory_space<vmem>>, vector<16xf32>,
      %swap3A_76 = arith.constant 240 : index
      %swap3A_77 = tpu.vector_load %arg7[%swap3A_76] {strides = array<i32>} : memref<256xf32, #tpu.memory_space<vmem>>, vector<16xf32>,
      tpu.vector_store %arg7[%swap3A_76], %get3A_75 {strides = array<i32>} : memref<256xf32, #tpu.memory_space<vmem>>, vector<16xf32>,
      %scan3A_78 = arith.constant 0 : i32
      %scan3A_79 = arith.constant 0 : i32
      %scan3A_80 = arith.constant 32 : i32
      %scan3A_81 = arith.addi %scan3A_79, %scan3A_80 : i32
      %scan3A_82 = arith.constant 1 : i32
      %scan3A_83 = scf.for %scan3A_655 = %scan3A_79 to %scan3A_81 step %scan3A_82 iter_args(%scan3A_656 = %scan3A_78) -> (i32)  : i32 {
        %broadcast_in_dim3A_657 = arith.constant -2.000000e+00 : f32
        %broadcast_in_dim3A_658 = vector.broadcast %broadcast_in_dim3A_657 : f32 to vector<16xf32>
        %scan3A_659 = arith.constant 0 : i32
        %scan3A_660 = arith.constant 16 : i32
        %scan3A_661 = arith.addi %scan3A_659, %scan3A_660 : i32
        %scan3A_662 = arith.constant 1 : i32
        %scan3A_663 = scf.for %scan3A_692 = %scan3A_659 to %scan3A_661 step %scan3A_662 iter_args(%scan3A_693 = %broadcast_in_dim3A_658) -> (vector<16xf32>)  : i32 {
          %mul3A_694 = arith.constant 16 : i32
          %mul3A_695 = arith.muli %scan3A_692, %mul3A_694 : i32
          %get3A_696 = arith.index_cast %mul3A_695 : i32 to index
          %get3A_697 = tpu.vector_load %arg7[%get3A_696] {strides = array<i32>} : memref<256xf32, #tpu.memory_space<vmem>>, vector<16xf32>,
          %max3A = arith.maximumf %scan3A_693, %get3A_697 : vector<16xf32>
          scf.yield %max3A : vector<16xf32>
        }
        %scan3A_664 = arith.constant 16 : i32
        %reduce_max3A = arith.constant true
        %reduce_max3A_665 = vector.broadcast %reduce_max3A : i1 to vector<16xi1>
        %reduce_max3A_666 = tpu.scan <max>, %scan3A_663 masked %reduce_max3A_665 : vector<16xf32>, vector<16xi1> -> vector<16xf32>
        %reduce_max3A_667 = vector.extract %reduce_max3A_666[15] : f32 from vector<16xf32>
        %broadcast_in_dim3A_668 = arith.constant 256 : i32
        %broadcast_in_dim3A_669 = vector.broadcast %broadcast_in_dim3A_668 : i32 to vector<16xi32>
        %scan3A_670 = arith.constant 0 : i32
        %scan3A_671 = arith.constant 16 : i32
        %scan3A_672 = arith.addi %scan3A_670, %scan3A_671 : i32
        %scan3A_673 = arith.constant 1 : i32
        %scan3A_674 = scf.for %scan3A_692 = %scan3A_670 to %scan3A_672 step %scan3A_673 iter_args(%scan3A_693 = %broadcast_in_dim3A_669) -> (vector<16xi32>)  : i32 {
          %mul3A_694 = arith.constant 16 : i32
          %mul3A_695 = arith.muli %scan3A_692, %mul3A_694 : i32
          %get3A_696 = arith.index_cast %mul3A_695 : i32 to index
          %get3A_697 = tpu.vector_load %arg7[%get3A_696] {strides = array<i32>} : memref<256xf32, #tpu.memory_space<vmem>>, vector<16xf32>,
          %eq3A_698 = vector.broadcast %reduce_max3A_667 : f32 to vector<16xf32>
          %eq3A_699 = arith.cmpf oeq, %get3A_697, %eq3A_698 : vector<16xf32>
          %mul3A_700 = arith.constant 16 : i32
          %mul3A_701 = arith.muli %scan3A_692, %mul3A_700 : i32
          %add3A_702 = vector.broadcast %mul3A_701 : i32 to vector<16xi32>
          %add3A_703 = arith.addi %add3A_702, %iota3A : vector<16xi32>
          %jit3A_704 = arith.constant 256 : i32
          %broadcast_in_dim3A_705 = vector.broadcast %jit3A_704 : i32 to vector<16xi32>
          %select_n3A_706 = arith.select %eq3A_699, %add3A_703, %broadcast_in_dim3A_705 : vector<16xi1>, vector<16xi32>
          %min3A = arith.minsi %scan3A_693, %select_n3A_706 : vector<16xi32>
          scf.yield %min3A : vector<16xi32>
        }
        %scan3A_675 = arith.constant 16 : i32
        %reduce_min3A = arith.constant true
        %reduce_min3A_676 = vector.broadcast %reduce_min3A : i1 to vector<16xi1>
        %reduce_min3A_677 = arith.constant -2147483648 : i32
        %reduce_min3A_678 = vector.broadcast %reduce_min3A_677 : i32 to vector<16xi32>
        %reduce_min3A_679 = arith.xori %scan3A_674, %reduce_min3A_678 : vector<16xi32>
        %reduce_min3A_680 = tpu.scan <min>, %reduce_min3A_679 masked %reduce_min3A_676 : vector<16xi32>, vector<16xi1> -> vector<16xi32>
        %reduce_min3A_681 = arith.xori %reduce_min3A_680, %reduce_min3A_678 : vector<16xi32>
        %reduce_min3A_682 = vector.extract %reduce_min3A_681[15] : i32 from vector<16xi32>
        %broadcast_in_dim3A_683 = vector.broadcast %reduce_min3A_682 : i32 to vector<16xi32>
        %broadcast_in_dim3A_684 = arith.constant -2.000000e+00 : f32
        %broadcast_in_dim3A_685 = vector.broadcast %broadcast_in_dim3A_684 : f32 to vector<16xf32>
        %eq3A = arith.constant 0 : i32
        %eq3A_686 = vector.broadcast %eq3A : i32 to vector<16xi32>
        %eq3A_687 = arith.cmpi eq, %iota3A, %eq3A_686 : vector<16xi32>
        tpu.vector_store_idx %arg7[%broadcast_in_dim3A_683], %broadcast_in_dim3A_685 masked %eq3A_687 : memref<256xf32, #tpu.memory_space<vmem>>[vector<16xi32>], vector<16xf32>, vector<16xi1>
        %swap3A_688 = arith.constant 1 : i32
        %swap3A_689 = arith.index_cast %swap3A_688 : i32 to index
        %swap3A_690 = memref.load %arg19[%swap3A_689] : memref<4xf32, #tpu.memory_space<smem>>
        memref.store %reduce_max3A_667, %arg19[%swap3A_689] : memref<4xf32, #tpu.memory_space<smem>>
        %scan3A_691 = arith.constant 0 : i32
        scf.yield %scan3A_691 : i32
      }
      %scan3A_84 = arith.constant 32 : i32
      %get3A_85 = arith.constant 1 : i32
      %get3A_86 = arith.index_cast %get3A_85 : i32 to index
      %get3A_87 = memref.load %arg19[%get3A_86] : memref<4xf32, #tpu.memory_space<smem>>
      %broadcast_in_dim3A = vector.broadcast %get3A_87 : f32 to vector<16xf32>
      %bitcast3A = vector.bitcast %broadcast_in_dim3A : vector<16xf32> to vector<16xi32>
      %sub3A = arith.constant 1 : i32
      %sub3A_88 = vector.broadcast %sub3A : i32 to vector<16xi32>
      %sub3A_89 = arith.subi %bitcast3A, %sub3A_88 : vector<16xi32>
      %bitcast3A_90 = vector.bitcast %sub3A_89 : vector<16xi32> to vector<16xf32>
      %gt3A = arith.constant 0.000000e+00 : f32
      %gt3A_91 = vector.broadcast %gt3A : f32 to vector<16xf32>
      %gt3A_92 = arith.cmpf ogt, %broadcast_in_dim3A, %gt3A_91 : vector<16xf32>
      %broadcast_in_dim3A_93 = arith.constant -1.000000e+00 : f32
      %broadcast_in_dim3A_94 = vector.broadcast %broadcast_in_dim3A_93 : f32 to vector<16xf32>
      %select_n3A = arith.select %gt3A_92, %bitcast3A_90, %broadcast_in_dim3A_94 : vector<16xi1>, vector<16xf32>
      %slice3A = vector.extract_strided_slice %select_n3A {offsets = [0], sizes = [1], strides = [1]} : vector<16xf32> to vector<1xf32>
      %squeeze3A = vector.extract %slice3A[0] : f32 from vector<1xf32>
      %swap3A_95 = arith.constant 0 : i32
      %swap3A_96 = arith.index_cast %swap3A_95 : i32 to index
      %swap3A_97 = memref.load %arg19[%swap3A_96] : memref<4xf32, #tpu.memory_space<smem>>
      memref.store %squeeze3A, %arg19[%swap3A_96] : memref<4xf32, #tpu.memory_space<smem>>
      %swap3A_98 = arith.constant 0 : i32
      %swap3A_99 = arith.constant 0 : i32
      %swap3A_100 = arith.index_cast %swap3A_99 : i32 to index
      %swap3A_101 = memref.load %arg18[%swap3A_100] : memref<4xi32, #tpu.memory_space<smem>>
      memref.store %swap3A_98, %arg18[%swap3A_100] : memref<4xi32, #tpu.memory_space<smem>>
      %swap3A_102 = arith.constant 0 : i32
      %swap3A_103 = arith.constant 0 : i32
      %swap3A_104 = arith.index_cast %swap3A_103 : i32 to index
      %swap3A_105 = memref.load %arg20[%swap3A_104] : memref<4xi32, #tpu.memory_space<smem>>
      memref.store %swap3A_102, %arg20[%swap3A_104] : memref<4xi32, #tpu.memory_space<smem>>
      %get3A_106 = arith.constant 0 : index
      %get3A_107 = tpu.vector_load %arg6[%get3A_106] {strides = array<i32>} : memref<256xf32, #tpu.memory_space<vmem>>, vector<16xf32>,
      %ge3A = vector.broadcast %get3A_87 : f32 to vector<16xf32>
      %ge3A_108 = arith.cmpf oge, %get3A_107, %ge3A : vector<16xf32>
      %jit3A = arith.constant 1 : i32
      %jit3A_109 = arith.constant 0 : i32
      %broadcast_in_dim3A_110 = vector.broadcast %jit3A : i32 to vector<16xi32>
      %broadcast_in_dim3A_111 = vector.broadcast %jit3A_109 : i32 to vector<16xi32>
      %select_n3A_112 = arith.select %ge3A_108, %broadcast_in_dim3A_110, %broadcast_in_dim3A_111 : vector<16xi1>, vector<16xi32>
      %reduce_sum3A = arith.constant true
      %reduce_sum3A_113 = vector.broadcast %reduce_sum3A : i1 to vector<16xi1>
      %reduce_sum3A_114 = tpu.scan <sum>, %select_n3A_112 masked %reduce_sum3A_113 : vector<16xi32>, vector<16xi1> -> vector<16xi32>
      %reduce_sum3A_115 = vector.extract %reduce_sum3A_114[15] : i32 from vector<16xi32>
      %get3A_116 = arith.constant 0 : i32
      %get3A_117 = arith.index_cast %get3A_116 : i32 to index
      %get3A_118 = memref.load %arg20[%get3A_117] : memref<4xi32, #tpu.memory_space<smem>>
      %add3A_119 = arith.constant 0 : i32
      %add3A_120 = vector.broadcast %add3A_119 : i32 to vector<16xi32>
      %add3A_121 = arith.addi %add3A_120, %iota3A : vector<16xi32>
      %swap3A_122 = arith.index_cast %get3A_118 : i32 to index
      %swap3A_123 = tpu.vector_load %arg9[%swap3A_122] masked %ge3A_108 {strides = array<i32>} : memref<272xi32, #tpu.memory_space<vmem>>, vector<16xi32>, vector<16xi1>
      tpu.vector_store %arg9[%swap3A_122], %add3A_121 masked %ge3A_108 {strides = array<i32>} : memref<272xi32, #tpu.memory_space<vmem>>, vector<16xi32>, vector<16xi1>
      %add3A_124 = arith.addi %get3A_118, %reduce_sum3A_115 : i32
      %swap3A_125 = arith.constant 0 : i32
      %swap3A_126 = arith.index_cast %swap3A_125 : i32 to index
      %swap3A_127 = memref.load %arg20[%swap3A_126] : memref<4xi32, #tpu.memory_space<smem>>
      memref.store %add3A_124, %arg20[%swap3A_126] : memref<4xi32, #tpu.memory_space<smem>>
      %get3A_128 = arith.constant 16 : index
      %get3A_129 = tpu.vector_load %arg6[%get3A_128] {strides = array<i32>} : memref<256xf32, #tpu.memory_space<vmem>>, vector<16xf32>,
      %ge3A_130 = vector.broadcast %get3A_87 : f32 to vector<16xf32>
      %ge3A_131 = arith.cmpf oge, %get3A_129, %ge3A_130 : vector<16xf32>
      %jit3A_132 = arith.constant 1 : i32
      %jit3A_133 = arith.constant 0 : i32
      %broadcast_in_dim3A_134 = vector.broadcast %jit3A_132 : i32 to vector<16xi32>
      %broadcast_in_dim3A_135 = vector.broadcast %jit3A_133 : i32 to vector<16xi32>
      %select_n3A_136 = arith.select %ge3A_131, %broadcast_in_dim3A_134, %broadcast_in_dim3A_135 : vector<16xi1>, vector<16xi32>
      %reduce_sum3A_137 = arith.constant true
      %reduce_sum3A_138 = vector.broadcast %reduce_sum3A_137 : i1 to vector<16xi1>
      %reduce_sum3A_139 = tpu.scan <sum>, %select_n3A_136 masked %reduce_sum3A_138 : vector<16xi32>, vector<16xi1> -> vector<16xi32>
      %reduce_sum3A_140 = vector.extract %reduce_sum3A_139[15] : i32 from vector<16xi32>
      %get3A_141 = arith.constant 0 : i32
      %get3A_142 = arith.index_cast %get3A_141 : i32 to index
      %get3A_143 = memref.load %arg20[%get3A_142] : memref<4xi32, #tpu.memory_space<smem>>
      %add3A_144 = arith.constant 16 : i32
      %add3A_145 = vector.broadcast %add3A_144 : i32 to vector<16xi32>
      %add3A_146 = arith.addi %add3A_145, %iota3A : vector<16xi32>
      %swap3A_147 = arith.index_cast %get3A_143 : i32 to index
      %swap3A_148 = tpu.vector_load %arg9[%swap3A_147] masked %ge3A_131 {strides = array<i32>} : memref<272xi32, #tpu.memory_space<vmem>>, vector<16xi32>, vector<16xi1>
      tpu.vector_store %arg9[%swap3A_147], %add3A_146 masked %ge3A_131 {strides = array<i32>} : memref<272xi32, #tpu.memory_space<vmem>>, vector<16xi32>, vector<16xi1>
      %add3A_149 = arith.addi %get3A_143, %reduce_sum3A_140 : i32
      %swap3A_150 = arith.constant 0 : i32
      %swap3A_151 = arith.index_cast %swap3A_150 : i32 to index
      %swap3A_152 = memref.load %arg20[%swap3A_151] : memref<4xi32, #tpu.memory_space<smem>>
      memref.store %add3A_149, %arg20[%swap3A_151] : memref<4xi32, #tpu.memory_space<smem>>
      %get3A_153 = arith.constant 32 : index
      %get3A_154 = tpu.vector_load %arg6[%get3A_153] {strides = array<i32>} : memref<256xf32, #tpu.memory_space<vmem>>, vector<16xf32>,
      %ge3A_155 = vector.broadcast %get3A_87 : f32 to vector<16xf32>
      %ge3A_156 = arith.cmpf oge, %get3A_154, %ge3A_155 : vector<16xf32>
      %jit3A_157 = arith.constant 1 : i32
      %jit3A_158 = arith.constant 0 : i32
      %broadcast_in_dim3A_159 = vector.broadcast %jit3A_157 : i32 to vector<16xi32>
      %broadcast_in_dim3A_160 = vector.broadcast %jit3A_158 : i32 to vector<16xi32>
      %select_n3A_161 = arith.select %ge3A_156, %broadcast_in_dim3A_159, %broadcast_in_dim3A_160 : vector<16xi1>, vector<16xi32>
      %reduce_sum3A_162 = arith.constant true
      %reduce_sum3A_163 = vector.broadcast %reduce_sum3A_162 : i1 to vector<16xi1>
      %reduce_sum3A_164 = tpu.scan <sum>, %select_n3A_161 masked %reduce_sum3A_163 : vector<16xi32>, vector<16xi1> -> vector<16xi32>
      %reduce_sum3A_165 = vector.extract %reduce_sum3A_164[15] : i32 from vector<16xi32>
      %get3A_166 = arith.constant 0 : i32
      %get3A_167 = arith.index_cast %get3A_166 : i32 to index
      %get3A_168 = memref.load %arg20[%get3A_167] : memref<4xi32, #tpu.memory_space<smem>>
      %add3A_169 = arith.constant 32 : i32
      %add3A_170 = vector.broadcast %add3A_169 : i32 to vector<16xi32>
      %add3A_171 = arith.addi %add3A_170, %iota3A : vector<16xi32>
      %swap3A_172 = arith.index_cast %get3A_168 : i32 to index
      %swap3A_173 = tpu.vector_load %arg9[%swap3A_172] masked %ge3A_156 {strides = array<i32>} : memref<272xi32, #tpu.memory_space<vmem>>, vector<16xi32>, vector<16xi1>
      tpu.vector_store %arg9[%swap3A_172], %add3A_171 masked %ge3A_156 {strides = array<i32>} : memref<272xi32, #tpu.memory_space<vmem>>, vector<16xi32>, vector<16xi1>
      %add3A_174 = arith.addi %get3A_168, %reduce_sum3A_165 : i32
      %swap3A_175 = arith.constant 0 : i32
      %swap3A_176 = arith.index_cast %swap3A_175 : i32 to index
      %swap3A_177 = memref.load %arg20[%swap3A_176] : memref<4xi32, #tpu.memory_space<smem>>
      memref.store %add3A_174, %arg20[%swap3A_176] : memref<4xi32, #tpu.memory_space<smem>>
      %get3A_178 = arith.constant 48 : index
      %get3A_179 = tpu.vector_load %arg6[%get3A_178] {strides = array<i32>} : memref<256xf32, #tpu.memory_space<vmem>>, vector<16xf32>,
      %ge3A_180 = vector.broadcast %get3A_87 : f32 to vector<16xf32>
      %ge3A_181 = arith.cmpf oge, %get3A_179, %ge3A_180 : vector<16xf32>
      %jit3A_182 = arith.constant 1 : i32
      %jit3A_183 = arith.constant 0 : i32
      %broadcast_in_dim3A_184 = vector.broadcast %jit3A_182 : i32 to vector<16xi32>
      %broadcast_in_dim3A_185 = vector.broadcast %jit3A_183 : i32 to vector<16xi32>
      %select_n3A_186 = arith.select %ge3A_181, %broadcast_in_dim3A_184, %broadcast_in_dim3A_185 : vector<16xi1>, vector<16xi32>
      %reduce_sum3A_187 = arith.constant true
      %reduce_sum3A_188 = vector.broadcast %reduce_sum3A_187 : i1 to vector<16xi1>
      %reduce_sum3A_189 = tpu.scan <sum>, %select_n3A_186 masked %reduce_sum3A_188 : vector<16xi32>, vector<16xi1> -> vector<16xi32>
      %reduce_sum3A_190 = vector.extract %reduce_sum3A_189[15] : i32 from vector<16xi32>
      %get3A_191 = arith.constant 0 : i32
      %get3A_192 = arith.index_cast %get3A_191 : i32 to index
      %get3A_193 = memref.load %arg20[%get3A_192] : memref<4xi32, #tpu.memory_space<smem>>
      %add3A_194 = arith.constant 48 : i32
      %add3A_195 = vector.broadcast %add3A_194 : i32 to vector<16xi32>
      %add3A_196 = arith.addi %add3A_195, %iota3A : vector<16xi32>
      %swap3A_197 = arith.index_cast %get3A_193 : i32 to index
      %swap3A_198 = tpu.vector_load %arg9[%swap3A_197] masked %ge3A_181 {strides = array<i32>} : memref<272xi32, #tpu.memory_space<vmem>>, vector<16xi32>, vector<16xi1>
      tpu.vector_store %arg9[%swap3A_197], %add3A_196 masked %ge3A_181 {strides = array<i32>} : memref<272xi32, #tpu.memory_space<vmem>>, vector<16xi32>, vector<16xi1>
      %add3A_199 = arith.addi %get3A_193, %reduce_sum3A_190 : i32
      %swap3A_200 = arith.constant 0 : i32
      %swap3A_201 = arith.index_cast %swap3A_200 : i32 to index
      %swap3A_202 = memref.load %arg20[%swap3A_201] : memref<4xi32, #tpu.memory_space<smem>>
      memref.store %add3A_199, %arg20[%swap3A_201] : memref<4xi32, #tpu.memory_space<smem>>
      %get3A_203 = arith.constant 64 : index
      %get3A_204 = tpu.vector_load %arg6[%get3A_203] {strides = array<i32>} : memref<256xf32, #tpu.memory_space<vmem>>, vector<16xf32>,
      %ge3A_205 = vector.broadcast %get3A_87 : f32 to vector<16xf32>
      %ge3A_206 = arith.cmpf oge, %get3A_204, %ge3A_205 : vector<16xf32>
      %jit3A_207 = arith.constant 1 : i32
      %jit3A_208 = arith.constant 0 : i32
      %broadcast_in_dim3A_209 = vector.broadcast %jit3A_207 : i32 to vector<16xi32>
      %broadcast_in_dim3A_210 = vector.broadcast %jit3A_208 : i32 to vector<16xi32>
      %select_n3A_211 = arith.select %ge3A_206, %broadcast_in_dim3A_209, %broadcast_in_dim3A_210 : vector<16xi1>, vector<16xi32>
      %reduce_sum3A_212 = arith.constant true
      %reduce_sum3A_213 = vector.broadcast %reduce_sum3A_212 : i1 to vector<16xi1>
      %reduce_sum3A_214 = tpu.scan <sum>, %select_n3A_211 masked %reduce_sum3A_213 : vector<16xi32>, vector<16xi1> -> vector<16xi32>
      %reduce_sum3A_215 = vector.extract %reduce_sum3A_214[15] : i32 from vector<16xi32>
      %get3A_216 = arith.constant 0 : i32
      %get3A_217 = arith.index_cast %get3A_216 : i32 to index
      %get3A_218 = memref.load %arg20[%get3A_217] : memref<4xi32, #tpu.memory_space<smem>>
      %add3A_219 = arith.constant 64 : i32
      %add3A_220 = vector.broadcast %add3A_219 : i32 to vector<16xi32>
      %add3A_221 = arith.addi %add3A_220, %iota3A : vector<16xi32>
      %swap3A_222 = arith.index_cast %get3A_218 : i32 to index
      %swap3A_223 = tpu.vector_load %arg9[%swap3A_222] masked %ge3A_206 {strides = array<i32>} : memref<272xi32, #tpu.memory_space<vmem>>, vector<16xi32>, vector<16xi1>
      tpu.vector_store %arg9[%swap3A_222], %add3A_221 masked %ge3A_206 {strides = array<i32>} : memref<272xi32, #tpu.memory_space<vmem>>, vector<16xi32>, vector<16xi1>
      %add3A_224 = arith.addi %get3A_218, %reduce_sum3A_215 : i32
      %swap3A_225 = arith.constant 0 : i32
      %swap3A_226 = arith.index_cast %swap3A_225 : i32 to index
      %swap3A_227 = memref.load %arg20[%swap3A_226] : memref<4xi32, #tpu.memory_space<smem>>
      memref.store %add3A_224, %arg20[%swap3A_226] : memref<4xi32, #tpu.memory_space<smem>>
      %get3A_228 = arith.constant 80 : index
      %get3A_229 = tpu.vector_load %arg6[%get3A_228] {strides = array<i32>} : memref<256xf32, #tpu.memory_space<vmem>>, vector<16xf32>,
      %ge3A_230 = vector.broadcast %get3A_87 : f32 to vector<16xf32>
      %ge3A_231 = arith.cmpf oge, %get3A_229, %ge3A_230 : vector<16xf32>
      %jit3A_232 = arith.constant 1 : i32
      %jit3A_233 = arith.constant 0 : i32
      %broadcast_in_dim3A_234 = vector.broadcast %jit3A_232 : i32 to vector<16xi32>
      %broadcast_in_dim3A_235 = vector.broadcast %jit3A_233 : i32 to vector<16xi32>
      %select_n3A_236 = arith.select %ge3A_231, %broadcast_in_dim3A_234, %broadcast_in_dim3A_235 : vector<16xi1>, vector<16xi32>
      %reduce_sum3A_237 = arith.constant true
      %reduce_sum3A_238 = vector.broadcast %reduce_sum3A_237 : i1 to vector<16xi1>
      %reduce_sum3A_239 = tpu.scan <sum>, %select_n3A_236 masked %reduce_sum3A_238 : vector<16xi32>, vector<16xi1> -> vector<16xi32>
      %reduce_sum3A_240 = vector.extract %reduce_sum3A_239[15] : i32 from vector<16xi32>
      %get3A_241 = arith.constant 0 : i32
      %get3A_242 = arith.index_cast %get3A_241 : i32 to index
      %get3A_243 = memref.load %arg20[%get3A_242] : memref<4xi32, #tpu.memory_space<smem>>
      %add3A_244 = arith.constant 80 : i32
      %add3A_245 = vector.broadcast %add3A_244 : i32 to vector<16xi32>
      %add3A_246 = arith.addi %add3A_245, %iota3A : vector<16xi32>
      %swap3A_247 = arith.index_cast %get3A_243 : i32 to index
      %swap3A_248 = tpu.vector_load %arg9[%swap3A_247] masked %ge3A_231 {strides = array<i32>} : memref<272xi32, #tpu.memory_space<vmem>>, vector<16xi32>, vector<16xi1>
      tpu.vector_store %arg9[%swap3A_247], %add3A_246 masked %ge3A_231 {strides = array<i32>} : memref<272xi32, #tpu.memory_space<vmem>>, vector<16xi32>, vector<16xi1>
      %add3A_249 = arith.addi %get3A_243, %reduce_sum3A_240 : i32
      %swap3A_250 = arith.constant 0 : i32
      %swap3A_251 = arith.index_cast %swap3A_250 : i32 to index
      %swap3A_252 = memref.load %arg20[%swap3A_251] : memref<4xi32, #tpu.memory_space<smem>>
      memref.store %add3A_249, %arg20[%swap3A_251] : memref<4xi32, #tpu.memory_space<smem>>
      %get3A_253 = arith.constant 96 : index
      %get3A_254 = tpu.vector_load %arg6[%get3A_253] {strides = array<i32>} : memref<256xf32, #tpu.memory_space<vmem>>, vector<16xf32>,
      %ge3A_255 = vector.broadcast %get3A_87 : f32 to vector<16xf32>
      %ge3A_256 = arith.cmpf oge, %get3A_254, %ge3A_255 : vector<16xf32>
      %jit3A_257 = arith.constant 1 : i32
      %jit3A_258 = arith.constant 0 : i32
      %broadcast_in_dim3A_259 = vector.broadcast %jit3A_257 : i32 to vector<16xi32>
      %broadcast_in_dim3A_260 = vector.broadcast %jit3A_258 : i32 to vector<16xi32>
      %select_n3A_261 = arith.select %ge3A_256, %broadcast_in_dim3A_259, %broadcast_in_dim3A_260 : vector<16xi1>, vector<16xi32>
      %reduce_sum3A_262 = arith.constant true
      %reduce_sum3A_263 = vector.broadcast %reduce_sum3A_262 : i1 to vector<16xi1>
      %reduce_sum3A_264 = tpu.scan <sum>, %select_n3A_261 masked %reduce_sum3A_263 : vector<16xi32>, vector<16xi1> -> vector<16xi32>
      %reduce_sum3A_265 = vector.extract %reduce_sum3A_264[15] : i32 from vector<16xi32>
      %get3A_266 = arith.constant 0 : i32
      %get3A_267 = arith.index_cast %get3A_266 : i32 to index
      %get3A_268 = memref.load %arg20[%get3A_267] : memref<4xi32, #tpu.memory_space<smem>>
      %add3A_269 = arith.constant 96 : i32
      %add3A_270 = vector.broadcast %add3A_269 : i32 to vector<16xi32>
      %add3A_271 = arith.addi %add3A_270, %iota3A : vector<16xi32>
      %swap3A_272 = arith.index_cast %get3A_268 : i32 to index
      %swap3A_273 = tpu.vector_load %arg9[%swap3A_272] masked %ge3A_256 {strides = array<i32>} : memref<272xi32, #tpu.memory_space<vmem>>, vector<16xi32>, vector<16xi1>
      tpu.vector_store %arg9[%swap3A_272], %add3A_271 masked %ge3A_256 {strides = array<i32>} : memref<272xi32, #tpu.memory_space<vmem>>, vector<16xi32>, vector<16xi1>
      %add3A_274 = arith.addi %get3A_268, %reduce_sum3A_265 : i32
      %swap3A_275 = arith.constant 0 : i32
      %swap3A_276 = arith.index_cast %swap3A_275 : i32 to index
      %swap3A_277 = memref.load %arg20[%swap3A_276] : memref<4xi32, #tpu.memory_space<smem>>
      memref.store %add3A_274, %arg20[%swap3A_276] : memref<4xi32, #tpu.memory_space<smem>>
      %get3A_278 = arith.constant 112 : index
      %get3A_279 = tpu.vector_load %arg6[%get3A_278] {strides = array<i32>} : memref<256xf32, #tpu.memory_space<vmem>>, vector<16xf32>,
      %ge3A_280 = vector.broadcast %get3A_87 : f32 to vector<16xf32>
      %ge3A_281 = arith.cmpf oge, %get3A_279, %ge3A_280 : vector<16xf32>
      %jit3A_282 = arith.constant 1 : i32
      %jit3A_283 = arith.constant 0 : i32
      %broadcast_in_dim3A_284 = vector.broadcast %jit3A_282 : i32 to vector<16xi32>
      %broadcast_in_dim3A_285 = vector.broadcast %jit3A_283 : i32 to vector<16xi32>
      %select_n3A_286 = arith.select %ge3A_281, %broadcast_in_dim3A_284, %broadcast_in_dim3A_285 : vector<16xi1>, vector<16xi32>
      %reduce_sum3A_287 = arith.constant true
      %reduce_sum3A_288 = vector.broadcast %reduce_sum3A_287 : i1 to vector<16xi1>
      %reduce_sum3A_289 = tpu.scan <sum>, %select_n3A_286 masked %reduce_sum3A_288 : vector<16xi32>, vector<16xi1> -> vector<16xi32>
      %reduce_sum3A_290 = vector.extract %reduce_sum3A_289[15] : i32 from vector<16xi32>
      %get3A_291 = arith.constant 0 : i32
      %get3A_292 = arith.index_cast %get3A_291 : i32 to index
      %get3A_293 = memref.load %arg20[%get3A_292] : memref<4xi32, #tpu.memory_space<smem>>
      %add3A_294 = arith.constant 112 : i32
      %add3A_295 = vector.broadcast %add3A_294 : i32 to vector<16xi32>
      %add3A_296 = arith.addi %add3A_295, %iota3A : vector<16xi32>
      %swap3A_297 = arith.index_cast %get3A_293 : i32 to index
      %swap3A_298 = tpu.vector_load %arg9[%swap3A_297] masked %ge3A_281 {strides = array<i32>} : memref<272xi32, #tpu.memory_space<vmem>>, vector<16xi32>, vector<16xi1>
      tpu.vector_store %arg9[%swap3A_297], %add3A_296 masked %ge3A_281 {strides = array<i32>} : memref<272xi32, #tpu.memory_space<vmem>>, vector<16xi32>, vector<16xi1>
      %add3A_299 = arith.addi %get3A_293, %reduce_sum3A_290 : i32
      %swap3A_300 = arith.constant 0 : i32
      %swap3A_301 = arith.index_cast %swap3A_300 : i32 to index
      %swap3A_302 = memref.load %arg20[%swap3A_301] : memref<4xi32, #tpu.memory_space<smem>>
      memref.store %add3A_299, %arg20[%swap3A_301] : memref<4xi32, #tpu.memory_space<smem>>
      %get3A_303 = arith.constant 128 : index
      %get3A_304 = tpu.vector_load %arg6[%get3A_303] {strides = array<i32>} : memref<256xf32, #tpu.memory_space<vmem>>, vector<16xf32>,
      %ge3A_305 = vector.broadcast %get3A_87 : f32 to vector<16xf32>
      %ge3A_306 = arith.cmpf oge, %get3A_304, %ge3A_305 : vector<16xf32>
      %jit3A_307 = arith.constant 1 : i32
      %jit3A_308 = arith.constant 0 : i32
      %broadcast_in_dim3A_309 = vector.broadcast %jit3A_307 : i32 to vector<16xi32>
      %broadcast_in_dim3A_310 = vector.broadcast %jit3A_308 : i32 to vector<16xi32>
      %select_n3A_311 = arith.select %ge3A_306, %broadcast_in_dim3A_309, %broadcast_in_dim3A_310 : vector<16xi1>, vector<16xi32>
      %reduce_sum3A_312 = arith.constant true
      %reduce_sum3A_313 = vector.broadcast %reduce_sum3A_312 : i1 to vector<16xi1>
      %reduce_sum3A_314 = tpu.scan <sum>, %select_n3A_311 masked %reduce_sum3A_313 : vector<16xi32>, vector<16xi1> -> vector<16xi32>
      %reduce_sum3A_315 = vector.extract %reduce_sum3A_314[15] : i32 from vector<16xi32>
      %get3A_316 = arith.constant 0 : i32
      %get3A_317 = arith.index_cast %get3A_316 : i32 to index
      %get3A_318 = memref.load %arg20[%get3A_317] : memref<4xi32, #tpu.memory_space<smem>>
      %add3A_319 = arith.constant 128 : i32
      %add3A_320 = vector.broadcast %add3A_319 : i32 to vector<16xi32>
      %add3A_321 = arith.addi %add3A_320, %iota3A : vector<16xi32>
      %swap3A_322 = arith.index_cast %get3A_318 : i32 to index
      %swap3A_323 = tpu.vector_load %arg9[%swap3A_322] masked %ge3A_306 {strides = array<i32>} : memref<272xi32, #tpu.memory_space<vmem>>, vector<16xi32>, vector<16xi1>
      tpu.vector_store %arg9[%swap3A_322], %add3A_321 masked %ge3A_306 {strides = array<i32>} : memref<272xi32, #tpu.memory_space<vmem>>, vector<16xi32>, vector<16xi1>
      %add3A_324 = arith.addi %get3A_318, %reduce_sum3A_315 : i32
      %swap3A_325 = arith.constant 0 : i32
      %swap3A_326 = arith.index_cast %swap3A_325 : i32 to index
      %swap3A_327 = memref.load %arg20[%swap3A_326] : memref<4xi32, #tpu.memory_space<smem>>
      memref.store %add3A_324, %arg20[%swap3A_326] : memref<4xi32, #tpu.memory_space<smem>>
      %get3A_328 = arith.constant 144 : index
      %get3A_329 = tpu.vector_load %arg6[%get3A_328] {strides = array<i32>} : memref<256xf32, #tpu.memory_space<vmem>>, vector<16xf32>,
      %ge3A_330 = vector.broadcast %get3A_87 : f32 to vector<16xf32>
      %ge3A_331 = arith.cmpf oge, %get3A_329, %ge3A_330 : vector<16xf32>
      %jit3A_332 = arith.constant 1 : i32
      %jit3A_333 = arith.constant 0 : i32
      %broadcast_in_dim3A_334 = vector.broadcast %jit3A_332 : i32 to vector<16xi32>
      %broadcast_in_dim3A_335 = vector.broadcast %jit3A_333 : i32 to vector<16xi32>
      %select_n3A_336 = arith.select %ge3A_331, %broadcast_in_dim3A_334, %broadcast_in_dim3A_335 : vector<16xi1>, vector<16xi32>
      %reduce_sum3A_337 = arith.constant true
      %reduce_sum3A_338 = vector.broadcast %reduce_sum3A_337 : i1 to vector<16xi1>
      %reduce_sum3A_339 = tpu.scan <sum>, %select_n3A_336 masked %reduce_sum3A_338 : vector<16xi32>, vector<16xi1> -> vector<16xi32>
      %reduce_sum3A_340 = vector.extract %reduce_sum3A_339[15] : i32 from vector<16xi32>
      %get3A_341 = arith.constant 0 : i32
      %get3A_342 = arith.index_cast %get3A_341 : i32 to index
      %get3A_343 = memref.load %arg20[%get3A_342] : memref<4xi32, #tpu.memory_space<smem>>
      %add3A_344 = arith.constant 144 : i32
      %add3A_345 = vector.broadcast %add3A_344 : i32 to vector<16xi32>
      %add3A_346 = arith.addi %add3A_345, %iota3A : vector<16xi32>
      %swap3A_347 = arith.index_cast %get3A_343 : i32 to index
      %swap3A_348 = tpu.vector_load %arg9[%swap3A_347] masked %ge3A_331 {strides = array<i32>} : memref<272xi32, #tpu.memory_space<vmem>>, vector<16xi32>, vector<16xi1>
      tpu.vector_store %arg9[%swap3A_347], %add3A_346 masked %ge3A_331 {strides = array<i32>} : memref<272xi32, #tpu.memory_space<vmem>>, vector<16xi32>, vector<16xi1>
      %add3A_349 = arith.addi %get3A_343, %reduce_sum3A_340 : i32
      %swap3A_350 = arith.constant 0 : i32
      %swap3A_351 = arith.index_cast %swap3A_350 : i32 to index
      %swap3A_352 = memref.load %arg20[%swap3A_351] : memref<4xi32, #tpu.memory_space<smem>>
      memref.store %add3A_349, %arg20[%swap3A_351] : memref<4xi32, #tpu.memory_space<smem>>
      %get3A_353 = arith.constant 160 : index
      %get3A_354 = tpu.vector_load %arg6[%get3A_353] {strides = array<i32>} : memref<256xf32, #tpu.memory_space<vmem>>, vector<16xf32>,
      %ge3A_355 = vector.broadcast %get3A_87 : f32 to vector<16xf32>
      %ge3A_356 = arith.cmpf oge, %get3A_354, %ge3A_355 : vector<16xf32>
      %jit3A_357 = arith.constant 1 : i32
      %jit3A_358 = arith.constant 0 : i32
      %broadcast_in_dim3A_359 = vector.broadcast %jit3A_357 : i32 to vector<16xi32>
      %broadcast_in_dim3A_360 = vector.broadcast %jit3A_358 : i32 to vector<16xi32>
      %select_n3A_361 = arith.select %ge3A_356, %broadcast_in_dim3A_359, %broadcast_in_dim3A_360 : vector<16xi1>, vector<16xi32>
      %reduce_sum3A_362 = arith.constant true
      %reduce_sum3A_363 = vector.broadcast %reduce_sum3A_362 : i1 to vector<16xi1>
      %reduce_sum3A_364 = tpu.scan <sum>, %select_n3A_361 masked %reduce_sum3A_363 : vector<16xi32>, vector<16xi1> -> vector<16xi32>
      %reduce_sum3A_365 = vector.extract %reduce_sum3A_364[15] : i32 from vector<16xi32>
      %get3A_366 = arith.constant 0 : i32
      %get3A_367 = arith.index_cast %get3A_366 : i32 to index
      %get3A_368 = memref.load %arg20[%get3A_367] : memref<4xi32, #tpu.memory_space<smem>>
      %add3A_369 = arith.constant 160 : i32
      %add3A_370 = vector.broadcast %add3A_369 : i32 to vector<16xi32>
      %add3A_371 = arith.addi %add3A_370, %iota3A : vector<16xi32>
      %swap3A_372 = arith.index_cast %get3A_368 : i32 to index
      %swap3A_373 = tpu.vector_load %arg9[%swap3A_372] masked %ge3A_356 {strides = array<i32>} : memref<272xi32, #tpu.memory_space<vmem>>, vector<16xi32>, vector<16xi1>
      tpu.vector_store %arg9[%swap3A_372], %add3A_371 masked %ge3A_356 {strides = array<i32>} : memref<272xi32, #tpu.memory_space<vmem>>, vector<16xi32>, vector<16xi1>
      %add3A_374 = arith.addi %get3A_368, %reduce_sum3A_365 : i32
      %swap3A_375 = arith.constant 0 : i32
      %swap3A_376 = arith.index_cast %swap3A_375 : i32 to index
      %swap3A_377 = memref.load %arg20[%swap3A_376] : memref<4xi32, #tpu.memory_space<smem>>
      memref.store %add3A_374, %arg20[%swap3A_376] : memref<4xi32, #tpu.memory_space<smem>>
      %get3A_378 = arith.constant 176 : index
      %get3A_379 = tpu.vector_load %arg6[%get3A_378] {strides = array<i32>} : memref<256xf32, #tpu.memory_space<vmem>>, vector<16xf32>,
      %ge3A_380 = vector.broadcast %get3A_87 : f32 to vector<16xf32>
      %ge3A_381 = arith.cmpf oge, %get3A_379, %ge3A_380 : vector<16xf32>
      %jit3A_382 = arith.constant 1 : i32
      %jit3A_383 = arith.constant 0 : i32
      %broadcast_in_dim3A_384 = vector.broadcast %jit3A_382 : i32 to vector<16xi32>
      %broadcast_in_dim3A_385 = vector.broadcast %jit3A_383 : i32 to vector<16xi32>
      %select_n3A_386 = arith.select %ge3A_381, %broadcast_in_dim3A_384, %broadcast_in_dim3A_385 : vector<16xi1>, vector<16xi32>
      %reduce_sum3A_387 = arith.constant true
      %reduce_sum3A_388 = vector.broadcast %reduce_sum3A_387 : i1 to vector<16xi1>
      %reduce_sum3A_389 = tpu.scan <sum>, %select_n3A_386 masked %reduce_sum3A_388 : vector<16xi32>, vector<16xi1> -> vector<16xi32>
      %reduce_sum3A_390 = vector.extract %reduce_sum3A_389[15] : i32 from vector<16xi32>
      %get3A_391 = arith.constant 0 : i32
      %get3A_392 = arith.index_cast %get3A_391 : i32 to index
      %get3A_393 = memref.load %arg20[%get3A_392] : memref<4xi32, #tpu.memory_space<smem>>
      %add3A_394 = arith.constant 176 : i32
      %add3A_395 = vector.broadcast %add3A_394 : i32 to vector<16xi32>
      %add3A_396 = arith.addi %add3A_395, %iota3A : vector<16xi32>
      %swap3A_397 = arith.index_cast %get3A_393 : i32 to index
      %swap3A_398 = tpu.vector_load %arg9[%swap3A_397] masked %ge3A_381 {strides = array<i32>} : memref<272xi32, #tpu.memory_space<vmem>>, vector<16xi32>, vector<16xi1>
      tpu.vector_store %arg9[%swap3A_397], %add3A_396 masked %ge3A_381 {strides = array<i32>} : memref<272xi32, #tpu.memory_space<vmem>>, vector<16xi32>, vector<16xi1>
      %add3A_399 = arith.addi %get3A_393, %reduce_sum3A_390 : i32
      %swap3A_400 = arith.constant 0 : i32
      %swap3A_401 = arith.index_cast %swap3A_400 : i32 to index
      %swap3A_402 = memref.load %arg20[%swap3A_401] : memref<4xi32, #tpu.memory_space<smem>>
      memref.store %add3A_399, %arg20[%swap3A_401] : memref<4xi32, #tpu.memory_space<smem>>
      %get3A_403 = arith.constant 192 : index
      %get3A_404 = tpu.vector_load %arg6[%get3A_403] {strides = array<i32>} : memref<256xf32, #tpu.memory_space<vmem>>, vector<16xf32>,
      %ge3A_405 = vector.broadcast %get3A_87 : f32 to vector<16xf32>
      %ge3A_406 = arith.cmpf oge, %get3A_404, %ge3A_405 : vector<16xf32>
      %jit3A_407 = arith.constant 1 : i32
      %jit3A_408 = arith.constant 0 : i32
      %broadcast_in_dim3A_409 = vector.broadcast %jit3A_407 : i32 to vector<16xi32>
      %broadcast_in_dim3A_410 = vector.broadcast %jit3A_408 : i32 to vector<16xi32>
      %select_n3A_411 = arith.select %ge3A_406, %broadcast_in_dim3A_409, %broadcast_in_dim3A_410 : vector<16xi1>, vector<16xi32>
      %reduce_sum3A_412 = arith.constant true
      %reduce_sum3A_413 = vector.broadcast %reduce_sum3A_412 : i1 to vector<16xi1>
      %reduce_sum3A_414 = tpu.scan <sum>, %select_n3A_411 masked %reduce_sum3A_413 : vector<16xi32>, vector<16xi1> -> vector<16xi32>
      %reduce_sum3A_415 = vector.extract %reduce_sum3A_414[15] : i32 from vector<16xi32>
      %get3A_416 = arith.constant 0 : i32
      %get3A_417 = arith.index_cast %get3A_416 : i32 to index
      %get3A_418 = memref.load %arg20[%get3A_417] : memref<4xi32, #tpu.memory_space<smem>>
      %add3A_419 = arith.constant 192 : i32
      %add3A_420 = vector.broadcast %add3A_419 : i32 to vector<16xi32>
      %add3A_421 = arith.addi %add3A_420, %iota3A : vector<16xi32>
      %swap3A_422 = arith.index_cast %get3A_418 : i32 to index
      %swap3A_423 = tpu.vector_load %arg9[%swap3A_422] masked %ge3A_406 {strides = array<i32>} : memref<272xi32, #tpu.memory_space<vmem>>, vector<16xi32>, vector<16xi1>
      tpu.vector_store %arg9[%swap3A_422], %add3A_421 masked %ge3A_406 {strides = array<i32>} : memref<272xi32, #tpu.memory_space<vmem>>, vector<16xi32>, vector<16xi1>
      %add3A_424 = arith.addi %get3A_418, %reduce_sum3A_415 : i32
      %swap3A_425 = arith.constant 0 : i32
      %swap3A_426 = arith.index_cast %swap3A_425 : i32 to index
      %swap3A_427 = memref.load %arg20[%swap3A_426] : memref<4xi32, #tpu.memory_space<smem>>
      memref.store %add3A_424, %arg20[%swap3A_426] : memref<4xi32, #tpu.memory_space<smem>>
      %get3A_428 = arith.constant 208 : index
      %get3A_429 = tpu.vector_load %arg6[%get3A_428] {strides = array<i32>} : memref<256xf32, #tpu.memory_space<vmem>>, vector<16xf32>,
      %ge3A_430 = vector.broadcast %get3A_87 : f32 to vector<16xf32>
      %ge3A_431 = arith.cmpf oge, %get3A_429, %ge3A_430 : vector<16xf32>
      %jit3A_432 = arith.constant 1 : i32
      %jit3A_433 = arith.constant 0 : i32
      %broadcast_in_dim3A_434 = vector.broadcast %jit3A_432 : i32 to vector<16xi32>
      %broadcast_in_dim3A_435 = vector.broadcast %jit3A_433 : i32 to vector<16xi32>
      %select_n3A_436 = arith.select %ge3A_431, %broadcast_in_dim3A_434, %broadcast_in_dim3A_435 : vector<16xi1>, vector<16xi32>
      %reduce_sum3A_437 = arith.constant true
      %reduce_sum3A_438 = vector.broadcast %reduce_sum3A_437 : i1 to vector<16xi1>
      %reduce_sum3A_439 = tpu.scan <sum>, %select_n3A_436 masked %reduce_sum3A_438 : vector<16xi32>, vector<16xi1> -> vector<16xi32>
      %reduce_sum3A_440 = vector.extract %reduce_sum3A_439[15] : i32 from vector<16xi32>
      %get3A_441 = arith.constant 0 : i32
      %get3A_442 = arith.index_cast %get3A_441 : i32 to index
      %get3A_443 = memref.load %arg20[%get3A_442] : memref<4xi32, #tpu.memory_space<smem>>
      %add3A_444 = arith.constant 208 : i32
      %add3A_445 = vector.broadcast %add3A_444 : i32 to vector<16xi32>
      %add3A_446 = arith.addi %add3A_445, %iota3A : vector<16xi32>
      %swap3A_447 = arith.index_cast %get3A_443 : i32 to index
      %swap3A_448 = tpu.vector_load %arg9[%swap3A_447] masked %ge3A_431 {strides = array<i32>} : memref<272xi32, #tpu.memory_space<vmem>>, vector<16xi32>, vector<16xi1>
      tpu.vector_store %arg9[%swap3A_447], %add3A_446 masked %ge3A_431 {strides = array<i32>} : memref<272xi32, #tpu.memory_space<vmem>>, vector<16xi32>, vector<16xi1>
      %add3A_449 = arith.addi %get3A_443, %reduce_sum3A_440 : i32
      %swap3A_450 = arith.constant 0 : i32
      %swap3A_451 = arith.index_cast %swap3A_450 : i32 to index
      %swap3A_452 = memref.load %arg20[%swap3A_451] : memref<4xi32, #tpu.memory_space<smem>>
      memref.store %add3A_449, %arg20[%swap3A_451] : memref<4xi32, #tpu.memory_space<smem>>
      %get3A_453 = arith.constant 224 : index
      %get3A_454 = tpu.vector_load %arg6[%get3A_453] {strides = array<i32>} : memref<256xf32, #tpu.memory_space<vmem>>, vector<16xf32>,
      %ge3A_455 = vector.broadcast %get3A_87 : f32 to vector<16xf32>
      %ge3A_456 = arith.cmpf oge, %get3A_454, %ge3A_455 : vector<16xf32>
      %jit3A_457 = arith.constant 1 : i32
      %jit3A_458 = arith.constant 0 : i32
      %broadcast_in_dim3A_459 = vector.broadcast %jit3A_457 : i32 to vector<16xi32>
      %broadcast_in_dim3A_460 = vector.broadcast %jit3A_458 : i32 to vector<16xi32>
      %select_n3A_461 = arith.select %ge3A_456, %broadcast_in_dim3A_459, %broadcast_in_dim3A_460 : vector<16xi1>, vector<16xi32>
      %reduce_sum3A_462 = arith.constant true
      %reduce_sum3A_463 = vector.broadcast %reduce_sum3A_462 : i1 to vector<16xi1>
      %reduce_sum3A_464 = tpu.scan <sum>, %select_n3A_461 masked %reduce_sum3A_463 : vector<16xi32>, vector<16xi1> -> vector<16xi32>
      %reduce_sum3A_465 = vector.extract %reduce_sum3A_464[15] : i32 from vector<16xi32>
      %get3A_466 = arith.constant 0 : i32
      %get3A_467 = arith.index_cast %get3A_466 : i32 to index
      %get3A_468 = memref.load %arg20[%get3A_467] : memref<4xi32, #tpu.memory_space<smem>>
      %add3A_469 = arith.constant 224 : i32
      %add3A_470 = vector.broadcast %add3A_469 : i32 to vector<16xi32>
      %add3A_471 = arith.addi %add3A_470, %iota3A : vector<16xi32>
      %swap3A_472 = arith.index_cast %get3A_468 : i32 to index
      %swap3A_473 = tpu.vector_load %arg9[%swap3A_472] masked %ge3A_456 {strides = array<i32>} : memref<272xi32, #tpu.memory_space<vmem>>, vector<16xi32>, vector<16xi1>
      tpu.vector_store %arg9[%swap3A_472], %add3A_471 masked %ge3A_456 {strides = array<i32>} : memref<272xi32, #tpu.memory_space<vmem>>, vector<16xi32>, vector<16xi1>
      %add3A_474 = arith.addi %get3A_468, %reduce_sum3A_465 : i32
      %swap3A_475 = arith.constant 0 : i32
      %swap3A_476 = arith.index_cast %swap3A_475 : i32 to index
      %swap3A_477 = memref.load %arg20[%swap3A_476] : memref<4xi32, #tpu.memory_space<smem>>
      memref.store %add3A_474, %arg20[%swap3A_476] : memref<4xi32, #tpu.memory_space<smem>>
      %get3A_478 = arith.constant 240 : index
      %get3A_479 = tpu.vector_load %arg6[%get3A_478] {strides = array<i32>} : memref<256xf32, #tpu.memory_space<vmem>>, vector<16xf32>,
      %ge3A_480 = vector.broadcast %get3A_87 : f32 to vector<16xf32>
      %ge3A_481 = arith.cmpf oge, %get3A_479, %ge3A_480 : vector<16xf32>
      %jit3A_482 = arith.constant 1 : i32
      %jit3A_483 = arith.constant 0 : i32
      %broadcast_in_dim3A_484 = vector.broadcast %jit3A_482 : i32 to vector<16xi32>
      %broadcast_in_dim3A_485 = vector.broadcast %jit3A_483 : i32 to vector<16xi32>
      %select_n3A_486 = arith.select %ge3A_481, %broadcast_in_dim3A_484, %broadcast_in_dim3A_485 : vector<16xi1>, vector<16xi32>
      %reduce_sum3A_487 = arith.constant true
      %reduce_sum3A_488 = vector.broadcast %reduce_sum3A_487 : i1 to vector<16xi1>
      %reduce_sum3A_489 = tpu.scan <sum>, %select_n3A_486 masked %reduce_sum3A_488 : vector<16xi32>, vector<16xi1> -> vector<16xi32>
      %reduce_sum3A_490 = vector.extract %reduce_sum3A_489[15] : i32 from vector<16xi32>
      %get3A_491 = arith.constant 0 : i32
      %get3A_492 = arith.index_cast %get3A_491 : i32 to index
      %get3A_493 = memref.load %arg20[%get3A_492] : memref<4xi32, #tpu.memory_space<smem>>
      %add3A_494 = arith.constant 240 : i32
      %add3A_495 = vector.broadcast %add3A_494 : i32 to vector<16xi32>
      %add3A_496 = arith.addi %add3A_495, %iota3A : vector<16xi32>
      %swap3A_497 = arith.index_cast %get3A_493 : i32 to index
      %swap3A_498 = tpu.vector_load %arg9[%swap3A_497] masked %ge3A_481 {strides = array<i32>} : memref<272xi32, #tpu.memory_space<vmem>>, vector<16xi32>, vector<16xi1>
      tpu.vector_store %arg9[%swap3A_497], %add3A_496 masked %ge3A_481 {strides = array<i32>} : memref<272xi32, #tpu.memory_space<vmem>>, vector<16xi32>, vector<16xi1>
      %add3A_499 = arith.addi %get3A_493, %reduce_sum3A_490 : i32
      %swap3A_500 = arith.constant 0 : i32
      %swap3A_501 = arith.index_cast %swap3A_500 : i32 to index
      %swap3A_502 = memref.load %arg20[%swap3A_501] : memref<4xi32, #tpu.memory_space<smem>>
      memref.store %add3A_499, %arg20[%swap3A_501] : memref<4xi32, #tpu.memory_space<smem>>
      %get3A_503 = arith.constant 0 : i32
      %get3A_504 = arith.index_cast %get3A_503 : i32 to index
      %get3A_505 = memref.load %arg20[%get3A_504] : memref<4xi32, #tpu.memory_space<smem>>
      %while3A = arith.constant 0 : i32
      %while3A_506 = arith.constant 0 : i32
      %while3A_507 = arith.subi %get3A_505, %while3A : i32
      %while3A_508 = arith.addi %while3A, %while3A_507 : i32
      %while3A_509 = arith.constant 1 : i32
      %while3A_510 = arith.divsi %while3A_507, %while3A_509 : i32
      %while3A_511 = arith.muli %while3A_510, %while3A_509 : i32
      %while3A_512 = arith.addi %while3A, %while3A_511 : i32
      %while3A_513 = arith.constant 1 : i32
      %while3A_514 = scf.for %while3A_655 = %while3A to %while3A_512 step %while3A_513 iter_args(%while3A_656 = %while3A_506) -> (i32)  : i32 {
        %broadcast_in_dim3A_657 = vector.broadcast %while3A_655 : i32 to vector<16xi32>
        %gather3A = tpu.vector_load_idx %arg9[%broadcast_in_dim3A_657] : memref<272xi32, #tpu.memory_space<vmem>>[vector<16xi32>], vector<16xi32>,
        %slice3A_658 = vector.extract_strided_slice %gather3A {offsets = [0], sizes = [1], strides = [1]} : vector<16xi32> to vector<1xi32>
        %squeeze3A_659 = vector.extract %slice3A_658[0] : i32 from vector<1xi32>
        %eq3A = arith.constant 195 : i32
        %eq3A_660 = arith.cmpi eq, %squeeze3A_659, %eq3A : i32
        %mul3A_661 = arith.constant 512 : i32
        %mul3A_662 = arith.muli %squeeze3A_659, %mul3A_661 : i32
        %jit3A_663 = arith.constant 99488 : i32
        %select_n3A_664 = arith.select %eq3A_660, %jit3A_663, %mul3A_662 : i32
        %add3A_665 = arith.addi %mul3A_13, %select_n3A_664 : i32
        %mul3A_666 = arith.constant 512 : i32
        %mul3A_667 = arith.muli %while3A_655, %mul3A_666 : i32
        %dma_start3A_668 = tpu.memref_slice %arg8[%mul3A_667] : memref<100352xf32, #tpu.memory_space<vmem>> -> memref<512xf32, #tpu.memory_space<vmem>>
        %dma_start3A_669 = tpu.memref_slice %arg2[%add3A_665] : memref<12800000xf32, #tpu.memory_space<hbm>> -> memref<512xf32, #tpu.memory_space<hbm>>
        %dma_start3A_670 = tpu.memref_slice %arg8[%mul3A_667] : memref<100352xf32, #tpu.memory_space<vmem>> -> memref<512xf32, #tpu.memory_space<vmem>>
        %dma_start3A_671 = tpu.memref_slice %arg2[%add3A_665] : memref<12800000xf32, #tpu.memory_space<hbm>> -> memref<512xf32, #tpu.memory_space<hbm>>
        tpu.enqueue_dma source(%dma_start3A_671 : memref<512xf32, #tpu.memory_space<hbm>>) target(%dma_start3A_670 : memref<512xf32, #tpu.memory_space<vmem>>) target_semaphore(%arg21 : memref<!tpu.dma_semaphore, #tpu.memory_space<semaphore_mem>>)
        %while3A_672 = arith.constant 0 : i32
        scf.yield %while3A_672 : i32
      }
      %while3A_515 = arith.constant 1 : i32
      %while3A_516 = scf.for %while3A_655 = %while3A_512 to %while3A_508 step %while3A_515 iter_args(%while3A_656 = %while3A_514) -> (i32)  : i32 {
        %broadcast_in_dim3A_657 = vector.broadcast %while3A_655 : i32 to vector<16xi32>
        %gather3A = tpu.vector_load_idx %arg9[%broadcast_in_dim3A_657] : memref<272xi32, #tpu.memory_space<vmem>>[vector<16xi32>], vector<16xi32>,
        %slice3A_658 = vector.extract_strided_slice %gather3A {offsets = [0], sizes = [1], strides = [1]} : vector<16xi32> to vector<1xi32>
        %squeeze3A_659 = vector.extract %slice3A_658[0] : i32 from vector<1xi32>
        %eq3A = arith.constant 195 : i32
        %eq3A_660 = arith.cmpi eq, %squeeze3A_659, %eq3A : i32
        %mul3A_661 = arith.constant 512 : i32
        %mul3A_662 = arith.muli %squeeze3A_659, %mul3A_661 : i32
        %jit3A_663 = arith.constant 99488 : i32
        %select_n3A_664 = arith.select %eq3A_660, %jit3A_663, %mul3A_662 : i32
        %add3A_665 = arith.addi %mul3A_13, %select_n3A_664 : i32
        %mul3A_666 = arith.constant 512 : i32
        %mul3A_667 = arith.muli %while3A_655, %mul3A_666 : i32
        %dma_start3A_668 = tpu.memref_slice %arg8[%mul3A_667] : memref<100352xf32, #tpu.memory_space<vmem>> -> memref<512xf32, #tpu.memory_space<vmem>>
        %dma_start3A_669 = tpu.memref_slice %arg2[%add3A_665] : memref<12800000xf32, #tpu.memory_space<hbm>> -> memref<512xf32, #tpu.memory_space<hbm>>
        %dma_start3A_670 = tpu.memref_slice %arg8[%mul3A_667] : memref<100352xf32, #tpu.memory_space<vmem>> -> memref<512xf32, #tpu.memory_space<vmem>>
        %dma_start3A_671 = tpu.memref_slice %arg2[%add3A_665] : memref<12800000xf32, #tpu.memory_space<hbm>> -> memref<512xf32, #tpu.memory_space<hbm>>
        tpu.enqueue_dma source(%dma_start3A_671 : memref<512xf32, #tpu.memory_space<hbm>>) target(%dma_start3A_670 : memref<512xf32, #tpu.memory_space<vmem>>) target_semaphore(%arg21 : memref<!tpu.dma_semaphore, #tpu.memory_space<semaphore_mem>>)
        %while3A_672 = arith.constant 0 : i32
        scf.yield %while3A_672 : i32
      }
      %while3A_517 = arith.constant 0 : i32
      %while3A_518 = arith.constant 0 : i32
      %while3A_519 = arith.subi %get3A_505, %while3A_517 : i32
      %while3A_520 = arith.addi %while3A_517, %while3A_519 : i32
      %while3A_521 = arith.constant 1 : i32
      %while3A_522 = arith.divsi %while3A_519, %while3A_521 : i32
      %while3A_523 = arith.muli %while3A_522, %while3A_521 : i32
      %while3A_524 = arith.addi %while3A_517, %while3A_523 : i32
      %while3A_525 = arith.constant 1 : i32
      %while3A_526 = scf.for %while3A_655 = %while3A_517 to %while3A_524 step %while3A_525 iter_args(%while3A_656 = %while3A_518) -> (i32)  : i32 {
        %dma_wait3A_657 = arith.constant 0 : i32
        %dma_wait3A_658 = tpu.memref_slice %arg8[%dma_wait3A_657] : memref<100352xf32, #tpu.memory_space<vmem>> -> memref<512xf32, #tpu.memory_space<vmem>>
        %dma_wait3A_659 = tpu.memref_slice %arg2[%mul3A_13] : memref<12800000xf32, #tpu.memory_space<hbm>> -> memref<512xf32, #tpu.memory_space<hbm>>
        %dma_wait3A_660 = arith.constant 0 : i32
        %dma_wait3A_661 = tpu.memref_slice %arg8[%dma_wait3A_660] : memref<100352xf32, #tpu.memory_space<vmem>> -> memref<512xf32, #tpu.memory_space<vmem>>
        %dma_wait3A_662 = tpu.memref_slice %arg2[%mul3A_13] : memref<12800000xf32, #tpu.memory_space<hbm>> -> memref<512xf32, #tpu.memory_space<hbm>>
        tpu.wait_dma2 semaphore(%arg21 : memref<!tpu.dma_semaphore, #tpu.memory_space<semaphore_mem>>) src(%dma_wait3A_662 : memref<512xf32, #tpu.memory_space<hbm>>) dst(%dma_wait3A_661 : memref<512xf32, #tpu.memory_space<vmem>>)
        %while3A_663 = arith.constant 0 : i32
        scf.yield %while3A_663 : i32
      }
      %while3A_527 = arith.constant 1 : i32
      %while3A_528 = scf.for %while3A_655 = %while3A_524 to %while3A_520 step %while3A_527 iter_args(%while3A_656 = %while3A_526) -> (i32)  : i32 {
        %dma_wait3A_657 = arith.constant 0 : i32
        %dma_wait3A_658 = tpu.memref_slice %arg8[%dma_wait3A_657] : memref<100352xf32, #tpu.memory_space<vmem>> -> memref<512xf32, #tpu.memory_space<vmem>>
        %dma_wait3A_659 = tpu.memref_slice %arg2[%mul3A_13] : memref<12800000xf32, #tpu.memory_space<hbm>> -> memref<512xf32, #tpu.memory_space<hbm>>
        %dma_wait3A_660 = arith.constant 0 : i32
        %dma_wait3A_661 = tpu.memref_slice %arg8[%dma_wait3A_660] : memref<100352xf32, #tpu.memory_space<vmem>> -> memref<512xf32, #tpu.memory_space<vmem>>
        %dma_wait3A_662 = tpu.memref_slice %arg2[%mul3A_13] : memref<12800000xf32, #tpu.memory_space<hbm>> -> memref<512xf32, #tpu.memory_space<hbm>>
        tpu.wait_dma2 semaphore(%arg21 : memref<!tpu.dma_semaphore, #tpu.memory_space<semaphore_mem>>) src(%dma_wait3A_662 : memref<512xf32, #tpu.memory_space<hbm>>) dst(%dma_wait3A_661 : memref<512xf32, #tpu.memory_space<vmem>>)
        %while3A_663 = arith.constant 0 : i32
        scf.yield %while3A_663 : i32
      }
      %while3A_529 = arith.constant 0 : i32
      %while3A_530 = arith.constant 0 : i32
      %while3A_531 = arith.subi %get3A_505, %while3A_529 : i32
      %while3A_532 = arith.addi %while3A_529, %while3A_531 : i32
      %while3A_533 = arith.constant 1 : i32
      %while3A_534 = arith.divsi %while3A_531, %while3A_533 : i32
      %while3A_535 = arith.muli %while3A_534, %while3A_533 : i32
      %while3A_536 = arith.addi %while3A_529, %while3A_535 : i32
      %while3A_537 = arith.constant 1 : i32
      %while3A_538 = scf.for %while3A_655 = %while3A_529 to %while3A_536 step %while3A_537 iter_args(%while3A_656 = %while3A_530) -> (i32)  : i32 {
        %broadcast_in_dim3A_657 = vector.broadcast %while3A_655 : i32 to vector<16xi32>
        %gather3A = tpu.vector_load_idx %arg9[%broadcast_in_dim3A_657] : memref<272xi32, #tpu.memory_space<vmem>>[vector<16xi32>], vector<16xi32>,
        %slice3A_658 = vector.extract_strided_slice %gather3A {offsets = [0], sizes = [1], strides = [1]} : vector<16xi32> to vector<1xi32>
        %squeeze3A_659 = vector.extract %slice3A_658[0] : i32 from vector<1xi32>
        %eq3A = arith.constant 195 : i32
        %eq3A_660 = arith.cmpi eq, %squeeze3A_659, %eq3A : i32
        %mul3A_661 = arith.constant 512 : i32
        %mul3A_662 = arith.muli %squeeze3A_659, %mul3A_661 : i32
        %jit3A_663 = arith.constant 99488 : i32
        %select_n3A_664 = arith.select %eq3A_660, %jit3A_663, %mul3A_662 : i32
        %mul3A_665 = arith.constant 512 : i32
        %mul3A_666 = arith.muli %squeeze3A_659, %mul3A_665 : i32
        %scan3A_667 = arith.constant 0 : i32
        %scan3A_668 = arith.constant 0 : i32
        %scan3A_669 = arith.constant 32 : i32
        %scan3A_670 = arith.addi %scan3A_668, %scan3A_669 : i32
        %scan3A_671 = arith.constant 1 : i32
        %scan3A_672 = scf.for %scan3A_675 = %scan3A_668 to %scan3A_670 step %scan3A_671 iter_args(%scan3A_676 = %scan3A_667) -> (i32)  : i32 {
          %mul3A_677 = arith.constant 512 : i32
          %mul3A_678 = arith.muli %while3A_655, %mul3A_677 : i32
          %mul3A_679 = arith.constant 16 : i32
          %mul3A_680 = arith.muli %scan3A_675, %mul3A_679 : i32
          %add3A_681 = arith.addi %mul3A_678, %mul3A_680 : i32
          %get3A_682 = arith.index_cast %add3A_681 : i32 to index
          %get3A_683 = tpu.vector_load %arg8[%get3A_682] {strides = array<i32>} : memref<100352xf32, #tpu.memory_space<vmem>>, vector<16xf32>,
          %abs3A_684 = math.absf %get3A_683 : vector<16xf32>
          %mul3A_685 = arith.constant 16 : i32
          %mul3A_686 = arith.muli %scan3A_675, %mul3A_685 : i32
          %add3A_687 = arith.addi %select_n3A_664, %mul3A_686 : i32
          %add3A_688 = vector.broadcast %add3A_687 : i32 to vector<16xi32>
          %add3A_689 = arith.addi %add3A_688, %iota3A : vector<16xi32>
          %get3A_690 = arith.constant 0 : i32
          %get3A_691 = arith.index_cast %get3A_690 : i32 to index
          %get3A_692 = memref.load %arg19[%get3A_691] : memref<4xf32, #tpu.memory_space<smem>>
          %gt3A_693 = vector.broadcast %get3A_692 : f32 to vector<16xf32>
          %gt3A_694 = arith.cmpf ogt, %abs3A_684, %gt3A_693 : vector<16xf32>
          %ge3A_695 = vector.broadcast %mul3A_666 : i32 to vector<16xi32>
          %ge3A_696 = arith.cmpi sge, %add3A_689, %ge3A_695 : vector<16xi32>
          %and3A = arith.andi %gt3A_694, %ge3A_696 : vector<16xi1>
          %jit3A_697 = arith.constant 1 : i32
          %jit3A_698 = arith.constant 0 : i32
          %broadcast_in_dim3A_699 = vector.broadcast %jit3A_697 : i32 to vector<16xi32>
          %broadcast_in_dim3A_700 = vector.broadcast %jit3A_698 : i32 to vector<16xi32>
          %select_n3A_701 = arith.select %and3A, %broadcast_in_dim3A_699, %broadcast_in_dim3A_700 : vector<16xi1>, vector<16xi32>
          %reduce_sum3A_702 = arith.constant true
          %reduce_sum3A_703 = vector.broadcast %reduce_sum3A_702 : i1 to vector<16xi1>
          %reduce_sum3A_704 = tpu.scan <sum>, %select_n3A_701 masked %reduce_sum3A_703 : vector<16xi32>, vector<16xi1> -> vector<16xi32>
          %reduce_sum3A_705 = vector.extract %reduce_sum3A_704[15] : i32 from vector<16xi32>
          %gt3A_706 = arith.constant 0 : i32
          %gt3A_707 = arith.cmpi sgt, %reduce_sum3A_705, %gt3A_706 : i32
          %convert_element_type3A = arith.extui %gt3A_707 : i1 to i32
          %cond3A = arith.constant 0 : i32
          %cond3A_708 = arith.cmpi ne, %convert_element_type3A, %cond3A : i32
          scf.if %cond3A_708 {
            %get3A_710 = arith.constant 0 : i32
            %get3A_711 = arith.index_cast %get3A_710 : i32 to index
            %get3A_712 = memref.load %arg18[%get3A_711] : memref<4xi32, #tpu.memory_space<smem>>
            %swap3A_713 = arith.index_cast %get3A_712 : i32 to index
            %swap3A_714 = tpu.vector_load %arg10[%swap3A_713] masked %and3A {strides = array<i32>} : memref<160xf32, #tpu.memory_space<vmem>>, vector<16xf32>, vector<16xi1>
            tpu.vector_store %arg10[%swap3A_713], %abs3A_684 masked %and3A {strides = array<i32>} : memref<160xf32, #tpu.memory_space<vmem>>, vector<16xf32>, vector<16xi1>
            %swap3A_715 = arith.index_cast %get3A_712 : i32 to index
            %swap3A_716 = tpu.vector_load %arg11[%swap3A_715] masked %and3A {strides = array<i32>} : memref<160xf32, #tpu.memory_space<vmem>>, vector<16xf32>, vector<16xi1>
            tpu.vector_store %arg11[%swap3A_715], %get3A_683 masked %and3A {strides = array<i32>} : memref<160xf32, #tpu.memory_space<vmem>>, vector<16xf32>, vector<16xi1>
            %swap3A_717 = arith.index_cast %get3A_712 : i32 to index
            %swap3A_718 = tpu.vector_load %arg12[%swap3A_717] masked %and3A {strides = array<i32>} : memref<160xi32, #tpu.memory_space<vmem>>, vector<16xi32>, vector<16xi1>
            tpu.vector_store %arg12[%swap3A_717], %add3A_689 masked %and3A {strides = array<i32>} : memref<160xi32, #tpu.memory_space<vmem>>, vector<16xi32>, vector<16xi1>
            %add3A_719 = arith.addi %get3A_712, %reduce_sum3A_705 : i32
            %swap3A_720 = arith.constant 0 : i32
            %swap3A_721 = arith.index_cast %swap3A_720 : i32 to index
            %swap3A_722 = memref.load %arg18[%swap3A_721] : memref<4xi32, #tpu.memory_space<smem>>
            memref.store %add3A_719, %arg18[%swap3A_721] : memref<4xi32, #tpu.memory_space<smem>>
            %add3A_723 = arith.addi %get3A_712, %reduce_sum3A_705 : i32
            %ge3A_724 = arith.constant 128 : i32
            %ge3A_725 = arith.cmpi sge, %add3A_723, %ge3A_724 : i32
            %convert_element_type3A_726 = arith.extui %ge3A_725 : i1 to i32
            %cond3A_727 = arith.constant 0 : i32
            %cond3A_728 = arith.cmpi ne, %convert_element_type3A_726, %cond3A_727 : i32
            scf.if %cond3A_728 {
              %get3A_729 = arith.constant 0 : i32
              %get3A_730 = arith.index_cast %get3A_729 : i32 to index
              %get3A_731 = memref.load %arg18[%get3A_730] : memref<4xi32, #tpu.memory_space<smem>>
              %scan3A_732 = arith.constant 0 : i32
              %scan3A_733 = arith.constant 0 : i32
              %scan3A_734 = arith.constant 10 : i32
              %scan3A_735 = arith.addi %scan3A_733, %scan3A_734 : i32
              %scan3A_736 = arith.constant 1 : i32
              %scan3A_737 = scf.for %scan3A_781 = %scan3A_733 to %scan3A_735 step %scan3A_736 iter_args(%scan3A_782 = %scan3A_732) -> (i32)  : i32 {
                %mul3A_783 = arith.constant 16 : i32
                %mul3A_784 = arith.muli %scan3A_781, %mul3A_783 : i32
                %add3A_785 = vector.broadcast %mul3A_784 : i32 to vector<16xi32>
                %add3A_786 = arith.addi %add3A_785, %iota3A : vector<16xi32>
                %mul3A_787 = arith.constant 16 : i32
                %mul3A_788 = arith.muli %scan3A_781, %mul3A_787 : i32
                %get3A_789 = arith.index_cast %mul3A_788 : i32 to index
                %get3A_790 = tpu.vector_load %arg10[%get3A_789] {strides = array<i32>} : memref<160xf32, #tpu.memory_space<vmem>>, vector<16xf32>,
                %lt3A = vector.broadcast %get3A_731 : i32 to vector<16xi32>
                %lt3A_791 = arith.cmpi slt, %add3A_786, %lt3A : vector<16xi32>
                %jit3A_792 = arith.constant -1.000000e+00 : f32
                %broadcast_in_dim3A_793 = vector.broadcast %jit3A_792 : f32 to vector<16xf32>
                %select_n3A_794 = arith.select %lt3A_791, %get3A_790, %broadcast_in_dim3A_793 : vector<16xi1>, vector<16xf32>
                %mul3A_795 = arith.constant 16 : i32
                %mul3A_796 = arith.muli %scan3A_781, %mul3A_795 : i32
                %swap3A_797 = arith.index_cast %mul3A_796 : i32 to index
                %swap3A_798 = tpu.vector_load %arg10[%swap3A_797] {strides = array<i32>} : memref<160xf32, #tpu.memory_space<vmem>>, vector<16xf32>,
                tpu.vector_store %arg10[%swap3A_797], %select_n3A_794 {strides = array<i32>} : memref<160xf32, #tpu.memory_space<vmem>>, vector<16xf32>,
                %scan3A_799 = arith.constant 0 : i32
                scf.yield %scan3A_799 : i32
              }
              %scan3A_738 = arith.constant 10 : i32
              %scan3A_739 = arith.constant 0 : i32
              %scan3A_740 = arith.constant 0 : i32
              %scan3A_741 = arith.constant 32 : i32
              %scan3A_742 = arith.addi %scan3A_740, %scan3A_741 : i32
              %scan3A_743 = arith.constant 1 : i32
              %scan3A_744 = scf.for %scan3A_781 = %scan3A_740 to %scan3A_742 step %scan3A_743 iter_args(%scan3A_782 = %scan3A_739) -> (i32)  : i32 {
                %broadcast_in_dim3A_783 = arith.constant -2.000000e+00 : f32
                %broadcast_in_dim3A_784 = vector.broadcast %broadcast_in_dim3A_783 : f32 to vector<16xf32>
                %scan3A_785 = arith.constant 0 : i32
                %scan3A_786 = arith.constant 10 : i32
                %scan3A_787 = arith.addi %scan3A_785, %scan3A_786 : i32
                %scan3A_788 = arith.constant 1 : i32
                %scan3A_789 = scf.for %scan3A_820 = %scan3A_785 to %scan3A_787 step %scan3A_788 iter_args(%scan3A_821 = %broadcast_in_dim3A_784) -> (vector<16xf32>)  : i32 {
                  %mul3A_822 = arith.constant 16 : i32
                  %mul3A_823 = arith.muli %scan3A_820, %mul3A_822 : i32
                  %get3A_824 = arith.index_cast %mul3A_823 : i32 to index
                  %get3A_825 = tpu.vector_load %arg10[%get3A_824] {strides = array<i32>} : memref<160xf32, #tpu.memory_space<vmem>>, vector<16xf32>,
                  %max3A = arith.maximumf %scan3A_821, %get3A_825 : vector<16xf32>
                  scf.yield %max3A : vector<16xf32>
                }
                %scan3A_790 = arith.constant 10 : i32
                %reduce_max3A = arith.constant true
                %reduce_max3A_791 = vector.broadcast %reduce_max3A : i1 to vector<16xi1>
                %reduce_max3A_792 = tpu.scan <max>, %scan3A_789 masked %reduce_max3A_791 : vector<16xf32>, vector<16xi1> -> vector<16xf32>
                %reduce_max3A_793 = vector.extract %reduce_max3A_792[15] : f32 from vector<16xf32>
                %broadcast_in_dim3A_794 = arith.constant 160 : i32
                %broadcast_in_dim3A_795 = vector.broadcast %broadcast_in_dim3A_794 : i32 to vector<16xi32>
                %scan3A_796 = arith.constant 0 : i32
                %scan3A_797 = arith.constant 10 : i32
                %scan3A_798 = arith.addi %scan3A_796, %scan3A_797 : i32
                %scan3A_799 = arith.constant 1 : i32
                %scan3A_800 = scf.for %scan3A_820 = %scan3A_796 to %scan3A_798 step %scan3A_799 iter_args(%scan3A_821 = %broadcast_in_dim3A_795) -> (vector<16xi32>)  : i32 {
                  %mul3A_822 = arith.constant 16 : i32
                  %mul3A_823 = arith.muli %scan3A_820, %mul3A_822 : i32
                  %get3A_824 = arith.index_cast %mul3A_823 : i32 to index
                  %get3A_825 = tpu.vector_load %arg10[%get3A_824] {strides = array<i32>} : memref<160xf32, #tpu.memory_space<vmem>>, vector<16xf32>,
                  %eq3A_826 = vector.broadcast %reduce_max3A_793 : f32 to vector<16xf32>
                  %eq3A_827 = arith.cmpf oeq, %get3A_825, %eq3A_826 : vector<16xf32>
                  %mul3A_828 = arith.constant 16 : i32
                  %mul3A_829 = arith.muli %scan3A_820, %mul3A_828 : i32
                  %add3A_830 = vector.broadcast %mul3A_829 : i32 to vector<16xi32>
                  %add3A_831 = arith.addi %add3A_830, %iota3A : vector<16xi32>
                  %jit3A_832 = arith.constant 160 : i32
                  %broadcast_in_dim3A_833 = vector.broadcast %jit3A_832 : i32 to vector<16xi32>
                  %select_n3A_834 = arith.select %eq3A_827, %add3A_831, %broadcast_in_dim3A_833 : vector<16xi1>, vector<16xi32>
                  %min3A = arith.minsi %scan3A_821, %select_n3A_834 : vector<16xi32>
                  scf.yield %min3A : vector<16xi32>
                }
                %scan3A_801 = arith.constant 10 : i32
                %reduce_min3A = arith.constant true
                %reduce_min3A_802 = vector.broadcast %reduce_min3A : i1 to vector<16xi1>
                %reduce_min3A_803 = arith.constant -2147483648 : i32
                %reduce_min3A_804 = vector.broadcast %reduce_min3A_803 : i32 to vector<16xi32>
                %reduce_min3A_805 = arith.xori %scan3A_800, %reduce_min3A_804 : vector<16xi32>
                %reduce_min3A_806 = tpu.scan <min>, %reduce_min3A_805 masked %reduce_min3A_802 : vector<16xi32>, vector<16xi1> -> vector<16xi32>
                %reduce_min3A_807 = arith.xori %reduce_min3A_806, %reduce_min3A_804 : vector<16xi32>
                %reduce_min3A_808 = vector.extract %reduce_min3A_807[15] : i32 from vector<16xi32>
                %eq3A_809 = arith.constant 0 : i32
                %eq3A_810 = vector.broadcast %eq3A_809 : i32 to vector<16xi32>
                %eq3A_811 = arith.cmpi eq, %iota3A, %eq3A_810 : vector<16xi32>
                %broadcast_in_dim3A_812 = vector.broadcast %reduce_min3A_808 : i32 to vector<16xi32>
                %broadcast_in_dim3A_813 = vector.broadcast %scan3A_781 : i32 to vector<16xi32>
                %broadcast_in_dim3A_814 = vector.broadcast %reduce_max3A_793 : f32 to vector<16xf32>
                tpu.vector_store_idx %arg13[%broadcast_in_dim3A_813], %broadcast_in_dim3A_814 masked %eq3A_811 : memref<32xf32, #tpu.memory_space<vmem>>[vector<16xi32>], vector<16xf32>, vector<16xi1>
                %gather3A_815 = tpu.vector_load_idx %arg11[%broadcast_in_dim3A_812] : memref<160xf32, #tpu.memory_space<vmem>>[vector<16xi32>], vector<16xf32>,
                tpu.vector_store_idx %arg14[%broadcast_in_dim3A_813], %gather3A_815 masked %eq3A_811 : memref<32xf32, #tpu.memory_space<vmem>>[vector<16xi32>], vector<16xf32>, vector<16xi1>
                %gather3A_816 = tpu.vector_load_idx %arg12[%broadcast_in_dim3A_812] : memref<160xi32, #tpu.memory_space<vmem>>[vector<16xi32>], vector<16xi32>,
                tpu.vector_store_idx %arg15[%broadcast_in_dim3A_813], %gather3A_816 masked %eq3A_811 : memref<32xi32, #tpu.memory_space<vmem>>[vector<16xi32>], vector<16xi32>, vector<16xi1>
                %broadcast_in_dim3A_817 = arith.constant -2.000000e+00 : f32
                %broadcast_in_dim3A_818 = vector.broadcast %broadcast_in_dim3A_817 : f32 to vector<16xf32>
                tpu.vector_store_idx %arg10[%broadcast_in_dim3A_812], %broadcast_in_dim3A_818 masked %eq3A_811 : memref<160xf32, #tpu.memory_space<vmem>>[vector<16xi32>], vector<16xf32>, vector<16xi1>
                %scan3A_819 = arith.constant 0 : i32
                scf.yield %scan3A_819 : i32
              }
              %scan3A_745 = arith.constant 32 : i32
              %get3A_746 = arith.constant 0 : index
              %get3A_747 = tpu.vector_load %arg13[%get3A_746] {strides = array<i32>} : memref<32xf32, #tpu.memory_space<vmem>>, vector<16xf32>,
              %swap3A_748 = arith.constant 0 : index
              %swap3A_749 = tpu.vector_load %arg10[%swap3A_748] {strides = array<i32>} : memref<160xf32, #tpu.memory_space<vmem>>, vector<16xf32>,
              tpu.vector_store %arg10[%swap3A_748], %get3A_747 {strides = array<i32>} : memref<160xf32, #tpu.memory_space<vmem>>, vector<16xf32>,
              %get3A_750 = arith.constant 0 : index
              %get3A_751 = tpu.vector_load %arg14[%get3A_750] {strides = array<i32>} : memref<32xf32, #tpu.memory_space<vmem>>, vector<16xf32>,
              %swap3A_752 = arith.constant 0 : index
              %swap3A_753 = tpu.vector_load %arg11[%swap3A_752] {strides = array<i32>} : memref<160xf32, #tpu.memory_space<vmem>>, vector<16xf32>,
              tpu.vector_store %arg11[%swap3A_752], %get3A_751 {strides = array<i32>} : memref<160xf32, #tpu.memory_space<vmem>>, vector<16xf32>,
              %get3A_754 = arith.constant 0 : index
              %get3A_755 = tpu.vector_load %arg15[%get3A_754] {strides = array<i32>} : memref<32xi32, #tpu.memory_space<vmem>>, vector<16xi32>,
              %swap3A_756 = arith.constant 0 : index
              %swap3A_757 = tpu.vector_load %arg12[%swap3A_756] {strides = array<i32>} : memref<160xi32, #tpu.memory_space<vmem>>, vector<16xi32>,
              tpu.vector_store %arg12[%swap3A_756], %get3A_755 {strides = array<i32>} : memref<160xi32, #tpu.memory_space<vmem>>, vector<16xi32>,
              %get3A_758 = arith.constant 16 : index
              %get3A_759 = tpu.vector_load %arg13[%get3A_758] {strides = array<i32>} : memref<32xf32, #tpu.memory_space<vmem>>, vector<16xf32>,
              %swap3A_760 = arith.constant 16 : index
              %swap3A_761 = tpu.vector_load %arg10[%swap3A_760] {strides = array<i32>} : memref<160xf32, #tpu.memory_space<vmem>>, vector<16xf32>,
              tpu.vector_store %arg10[%swap3A_760], %get3A_759 {strides = array<i32>} : memref<160xf32, #tpu.memory_space<vmem>>, vector<16xf32>,
              %get3A_762 = arith.constant 16 : index
              %get3A_763 = tpu.vector_load %arg14[%get3A_762] {strides = array<i32>} : memref<32xf32, #tpu.memory_space<vmem>>, vector<16xf32>,
              %swap3A_764 = arith.constant 16 : index
              %swap3A_765 = tpu.vector_load %arg11[%swap3A_764] {strides = array<i32>} : memref<160xf32, #tpu.memory_space<vmem>>, vector<16xf32>,
              tpu.vector_store %arg11[%swap3A_764], %get3A_763 {strides = array<i32>} : memref<160xf32, #tpu.memory_space<vmem>>, vector<16xf32>,
              %get3A_766 = arith.constant 16 : index
              %get3A_767 = tpu.vector_load %arg15[%get3A_766] {strides = array<i32>} : memref<32xi32, #tpu.memory_space<vmem>>, vector<16xi32>,
              %swap3A_768 = arith.constant 16 : index
              %swap3A_769 = tpu.vector_load %arg12[%swap3A_768] {strides = array<i32>} : memref<160xi32, #tpu.memory_space<vmem>>, vector<16xi32>,
              tpu.vector_store %arg12[%swap3A_768], %get3A_767 {strides = array<i32>} : memref<160xi32, #tpu.memory_space<vmem>>, vector<16xi32>,
              %get3A_770 = arith.constant 16 : index
              %get3A_771 = tpu.vector_load %arg13[%get3A_770] {strides = array<i32>} : memref<32xf32, #tpu.memory_space<vmem>>, vector<16xf32>,
              %slice3A_772 = vector.extract_strided_slice %get3A_771 {offsets = [15], sizes = [1], strides = [1]} : vector<16xf32> to vector<1xf32>
              %squeeze3A_773 = vector.extract %slice3A_772[0] : f32 from vector<1xf32>
              %swap3A_774 = arith.constant 0 : i32
              %swap3A_775 = arith.index_cast %swap3A_774 : i32 to index
              %swap3A_776 = memref.load %arg19[%swap3A_775] : memref<4xf32, #tpu.memory_space<smem>>
              memref.store %squeeze3A_773, %arg19[%swap3A_775] : memref<4xf32, #tpu.memory_space<smem>>
              %swap3A_777 = arith.constant 32 : i32
              %swap3A_778 = arith.constant 0 : i32
              %swap3A_779 = arith.index_cast %swap3A_778 : i32 to index
              %swap3A_780 = memref.load %arg18[%swap3A_779] : memref<4xi32, #tpu.memory_space<smem>>
              memref.store %swap3A_777, %arg18[%swap3A_779] : memref<4xi32, #tpu.memory_space<smem>>
            } else {
            }
          } else {
          }
          %scan3A_709 = arith.constant 0 : i32
          scf.yield %scan3A_709 : i32
        }
        %scan3A_673 = arith.constant 32 : i32
        %while3A_674 = arith.constant 0 : i32
        scf.yield %while3A_674 : i32
      }
      %while3A_539 = arith.constant 1 : i32
      %while3A_540 = scf.for %while3A_655 = %while3A_536 to %while3A_532 step %while3A_539 iter_args(%while3A_656 = %while3A_538) -> (i32)  : i32 {
        %broadcast_in_dim3A_657 = vector.broadcast %while3A_655 : i32 to vector<16xi32>
        %gather3A = tpu.vector_load_idx %arg9[%broadcast_in_dim3A_657] : memref<272xi32, #tpu.memory_space<vmem>>[vector<16xi32>], vector<16xi32>,
        %slice3A_658 = vector.extract_strided_slice %gather3A {offsets = [0], sizes = [1], strides = [1]} : vector<16xi32> to vector<1xi32>
        %squeeze3A_659 = vector.extract %slice3A_658[0] : i32 from vector<1xi32>
        %eq3A = arith.constant 195 : i32
        %eq3A_660 = arith.cmpi eq, %squeeze3A_659, %eq3A : i32
        %mul3A_661 = arith.constant 512 : i32
        %mul3A_662 = arith.muli %squeeze3A_659, %mul3A_661 : i32
        %jit3A_663 = arith.constant 99488 : i32
        %select_n3A_664 = arith.select %eq3A_660, %jit3A_663, %mul3A_662 : i32
        %mul3A_665 = arith.constant 512 : i32
        %mul3A_666 = arith.muli %squeeze3A_659, %mul3A_665 : i32
        %scan3A_667 = arith.constant 0 : i32
        %scan3A_668 = arith.constant 0 : i32
        %scan3A_669 = arith.constant 32 : i32
        %scan3A_670 = arith.addi %scan3A_668, %scan3A_669 : i32
        %scan3A_671 = arith.constant 1 : i32
        %scan3A_672 = scf.for %scan3A_675 = %scan3A_668 to %scan3A_670 step %scan3A_671 iter_args(%scan3A_676 = %scan3A_667) -> (i32)  : i32 {
          %mul3A_677 = arith.constant 512 : i32
          %mul3A_678 = arith.muli %while3A_655, %mul3A_677 : i32
          %mul3A_679 = arith.constant 16 : i32
          %mul3A_680 = arith.muli %scan3A_675, %mul3A_679 : i32
          %add3A_681 = arith.addi %mul3A_678, %mul3A_680 : i32
          %get3A_682 = arith.index_cast %add3A_681 : i32 to index
          %get3A_683 = tpu.vector_load %arg8[%get3A_682] {strides = array<i32>} : memref<100352xf32, #tpu.memory_space<vmem>>, vector<16xf32>,
          %abs3A_684 = math.absf %get3A_683 : vector<16xf32>
          %mul3A_685 = arith.constant 16 : i32
          %mul3A_686 = arith.muli %scan3A_675, %mul3A_685 : i32
          %add3A_687 = arith.addi %select_n3A_664, %mul3A_686 : i32
          %add3A_688 = vector.broadcast %add3A_687 : i32 to vector<16xi32>
          %add3A_689 = arith.addi %add3A_688, %iota3A : vector<16xi32>
          %get3A_690 = arith.constant 0 : i32
          %get3A_691 = arith.index_cast %get3A_690 : i32 to index
          %get3A_692 = memref.load %arg19[%get3A_691] : memref<4xf32, #tpu.memory_space<smem>>
          %gt3A_693 = vector.broadcast %get3A_692 : f32 to vector<16xf32>
          %gt3A_694 = arith.cmpf ogt, %abs3A_684, %gt3A_693 : vector<16xf32>
          %ge3A_695 = vector.broadcast %mul3A_666 : i32 to vector<16xi32>
          %ge3A_696 = arith.cmpi sge, %add3A_689, %ge3A_695 : vector<16xi32>
          %and3A = arith.andi %gt3A_694, %ge3A_696 : vector<16xi1>
          %jit3A_697 = arith.constant 1 : i32
          %jit3A_698 = arith.constant 0 : i32
          %broadcast_in_dim3A_699 = vector.broadcast %jit3A_697 : i32 to vector<16xi32>
          %broadcast_in_dim3A_700 = vector.broadcast %jit3A_698 : i32 to vector<16xi32>
          %select_n3A_701 = arith.select %and3A, %broadcast_in_dim3A_699, %broadcast_in_dim3A_700 : vector<16xi1>, vector<16xi32>
          %reduce_sum3A_702 = arith.constant true
          %reduce_sum3A_703 = vector.broadcast %reduce_sum3A_702 : i1 to vector<16xi1>
          %reduce_sum3A_704 = tpu.scan <sum>, %select_n3A_701 masked %reduce_sum3A_703 : vector<16xi32>, vector<16xi1> -> vector<16xi32>
          %reduce_sum3A_705 = vector.extract %reduce_sum3A_704[15] : i32 from vector<16xi32>
          %gt3A_706 = arith.constant 0 : i32
          %gt3A_707 = arith.cmpi sgt, %reduce_sum3A_705, %gt3A_706 : i32
          %convert_element_type3A = arith.extui %gt3A_707 : i1 to i32
          %cond3A = arith.constant 0 : i32
          %cond3A_708 = arith.cmpi ne, %convert_element_type3A, %cond3A : i32
          scf.if %cond3A_708 {
            %get3A_710 = arith.constant 0 : i32
            %get3A_711 = arith.index_cast %get3A_710 : i32 to index
            %get3A_712 = memref.load %arg18[%get3A_711] : memref<4xi32, #tpu.memory_space<smem>>
            %swap3A_713 = arith.index_cast %get3A_712 : i32 to index
            %swap3A_714 = tpu.vector_load %arg10[%swap3A_713] masked %and3A {strides = array<i32>} : memref<160xf32, #tpu.memory_space<vmem>>, vector<16xf32>, vector<16xi1>
            tpu.vector_store %arg10[%swap3A_713], %abs3A_684 masked %and3A {strides = array<i32>} : memref<160xf32, #tpu.memory_space<vmem>>, vector<16xf32>, vector<16xi1>
            %swap3A_715 = arith.index_cast %get3A_712 : i32 to index
            %swap3A_716 = tpu.vector_load %arg11[%swap3A_715] masked %and3A {strides = array<i32>} : memref<160xf32, #tpu.memory_space<vmem>>, vector<16xf32>, vector<16xi1>
            tpu.vector_store %arg11[%swap3A_715], %get3A_683 masked %and3A {strides = array<i32>} : memref<160xf32, #tpu.memory_space<vmem>>, vector<16xf32>, vector<16xi1>
            %swap3A_717 = arith.index_cast %get3A_712 : i32 to index
            %swap3A_718 = tpu.vector_load %arg12[%swap3A_717] masked %and3A {strides = array<i32>} : memref<160xi32, #tpu.memory_space<vmem>>, vector<16xi32>, vector<16xi1>
            tpu.vector_store %arg12[%swap3A_717], %add3A_689 masked %and3A {strides = array<i32>} : memref<160xi32, #tpu.memory_space<vmem>>, vector<16xi32>, vector<16xi1>
            %add3A_719 = arith.addi %get3A_712, %reduce_sum3A_705 : i32
            %swap3A_720 = arith.constant 0 : i32
            %swap3A_721 = arith.index_cast %swap3A_720 : i32 to index
            %swap3A_722 = memref.load %arg18[%swap3A_721] : memref<4xi32, #tpu.memory_space<smem>>
            memref.store %add3A_719, %arg18[%swap3A_721] : memref<4xi32, #tpu.memory_space<smem>>
            %add3A_723 = arith.addi %get3A_712, %reduce_sum3A_705 : i32
            %ge3A_724 = arith.constant 128 : i32
            %ge3A_725 = arith.cmpi sge, %add3A_723, %ge3A_724 : i32
            %convert_element_type3A_726 = arith.extui %ge3A_725 : i1 to i32
            %cond3A_727 = arith.constant 0 : i32
            %cond3A_728 = arith.cmpi ne, %convert_element_type3A_726, %cond3A_727 : i32
            scf.if %cond3A_728 {
              %get3A_729 = arith.constant 0 : i32
              %get3A_730 = arith.index_cast %get3A_729 : i32 to index
              %get3A_731 = memref.load %arg18[%get3A_730] : memref<4xi32, #tpu.memory_space<smem>>
              %scan3A_732 = arith.constant 0 : i32
              %scan3A_733 = arith.constant 0 : i32
              %scan3A_734 = arith.constant 10 : i32
              %scan3A_735 = arith.addi %scan3A_733, %scan3A_734 : i32
              %scan3A_736 = arith.constant 1 : i32
              %scan3A_737 = scf.for %scan3A_781 = %scan3A_733 to %scan3A_735 step %scan3A_736 iter_args(%scan3A_782 = %scan3A_732) -> (i32)  : i32 {
                %mul3A_783 = arith.constant 16 : i32
                %mul3A_784 = arith.muli %scan3A_781, %mul3A_783 : i32
                %add3A_785 = vector.broadcast %mul3A_784 : i32 to vector<16xi32>
                %add3A_786 = arith.addi %add3A_785, %iota3A : vector<16xi32>
                %mul3A_787 = arith.constant 16 : i32
                %mul3A_788 = arith.muli %scan3A_781, %mul3A_787 : i32
                %get3A_789 = arith.index_cast %mul3A_788 : i32 to index
                %get3A_790 = tpu.vector_load %arg10[%get3A_789] {strides = array<i32>} : memref<160xf32, #tpu.memory_space<vmem>>, vector<16xf32>,
                %lt3A = vector.broadcast %get3A_731 : i32 to vector<16xi32>
                %lt3A_791 = arith.cmpi slt, %add3A_786, %lt3A : vector<16xi32>
                %jit3A_792 = arith.constant -1.000000e+00 : f32
                %broadcast_in_dim3A_793 = vector.broadcast %jit3A_792 : f32 to vector<16xf32>
                %select_n3A_794 = arith.select %lt3A_791, %get3A_790, %broadcast_in_dim3A_793 : vector<16xi1>, vector<16xf32>
                %mul3A_795 = arith.constant 16 : i32
                %mul3A_796 = arith.muli %scan3A_781, %mul3A_795 : i32
                %swap3A_797 = arith.index_cast %mul3A_796 : i32 to index
                %swap3A_798 = tpu.vector_load %arg10[%swap3A_797] {strides = array<i32>} : memref<160xf32, #tpu.memory_space<vmem>>, vector<16xf32>,
                tpu.vector_store %arg10[%swap3A_797], %select_n3A_794 {strides = array<i32>} : memref<160xf32, #tpu.memory_space<vmem>>, vector<16xf32>,
                %scan3A_799 = arith.constant 0 : i32
                scf.yield %scan3A_799 : i32
              }
              %scan3A_738 = arith.constant 10 : i32
              %scan3A_739 = arith.constant 0 : i32
              %scan3A_740 = arith.constant 0 : i32
              %scan3A_741 = arith.constant 32 : i32
              %scan3A_742 = arith.addi %scan3A_740, %scan3A_741 : i32
              %scan3A_743 = arith.constant 1 : i32
              %scan3A_744 = scf.for %scan3A_781 = %scan3A_740 to %scan3A_742 step %scan3A_743 iter_args(%scan3A_782 = %scan3A_739) -> (i32)  : i32 {
                %broadcast_in_dim3A_783 = arith.constant -2.000000e+00 : f32
                %broadcast_in_dim3A_784 = vector.broadcast %broadcast_in_dim3A_783 : f32 to vector<16xf32>
                %scan3A_785 = arith.constant 0 : i32
                %scan3A_786 = arith.constant 10 : i32
                %scan3A_787 = arith.addi %scan3A_785, %scan3A_786 : i32
                %scan3A_788 = arith.constant 1 : i32
                %scan3A_789 = scf.for %scan3A_820 = %scan3A_785 to %scan3A_787 step %scan3A_788 iter_args(%scan3A_821 = %broadcast_in_dim3A_784) -> (vector<16xf32>)  : i32 {
                  %mul3A_822 = arith.constant 16 : i32
                  %mul3A_823 = arith.muli %scan3A_820, %mul3A_822 : i32
                  %get3A_824 = arith.index_cast %mul3A_823 : i32 to index
                  %get3A_825 = tpu.vector_load %arg10[%get3A_824] {strides = array<i32>} : memref<160xf32, #tpu.memory_space<vmem>>, vector<16xf32>,
                  %max3A = arith.maximumf %scan3A_821, %get3A_825 : vector<16xf32>
                  scf.yield %max3A : vector<16xf32>
                }
                %scan3A_790 = arith.constant 10 : i32
                %reduce_max3A = arith.constant true
                %reduce_max3A_791 = vector.broadcast %reduce_max3A : i1 to vector<16xi1>
                %reduce_max3A_792 = tpu.scan <max>, %scan3A_789 masked %reduce_max3A_791 : vector<16xf32>, vector<16xi1> -> vector<16xf32>
                %reduce_max3A_793 = vector.extract %reduce_max3A_792[15] : f32 from vector<16xf32>
                %broadcast_in_dim3A_794 = arith.constant 160 : i32
                %broadcast_in_dim3A_795 = vector.broadcast %broadcast_in_dim3A_794 : i32 to vector<16xi32>
                %scan3A_796 = arith.constant 0 : i32
                %scan3A_797 = arith.constant 10 : i32
                %scan3A_798 = arith.addi %scan3A_796, %scan3A_797 : i32
                %scan3A_799 = arith.constant 1 : i32
                %scan3A_800 = scf.for %scan3A_820 = %scan3A_796 to %scan3A_798 step %scan3A_799 iter_args(%scan3A_821 = %broadcast_in_dim3A_795) -> (vector<16xi32>)  : i32 {
                  %mul3A_822 = arith.constant 16 : i32
                  %mul3A_823 = arith.muli %scan3A_820, %mul3A_822 : i32
                  %get3A_824 = arith.index_cast %mul3A_823 : i32 to index
                  %get3A_825 = tpu.vector_load %arg10[%get3A_824] {strides = array<i32>} : memref<160xf32, #tpu.memory_space<vmem>>, vector<16xf32>,
                  %eq3A_826 = vector.broadcast %reduce_max3A_793 : f32 to vector<16xf32>
                  %eq3A_827 = arith.cmpf oeq, %get3A_825, %eq3A_826 : vector<16xf32>
                  %mul3A_828 = arith.constant 16 : i32
                  %mul3A_829 = arith.muli %scan3A_820, %mul3A_828 : i32
                  %add3A_830 = vector.broadcast %mul3A_829 : i32 to vector<16xi32>
                  %add3A_831 = arith.addi %add3A_830, %iota3A : vector<16xi32>
                  %jit3A_832 = arith.constant 160 : i32
                  %broadcast_in_dim3A_833 = vector.broadcast %jit3A_832 : i32 to vector<16xi32>
                  %select_n3A_834 = arith.select %eq3A_827, %add3A_831, %broadcast_in_dim3A_833 : vector<16xi1>, vector<16xi32>
                  %min3A = arith.minsi %scan3A_821, %select_n3A_834 : vector<16xi32>
                  scf.yield %min3A : vector<16xi32>
                }
                %scan3A_801 = arith.constant 10 : i32
                %reduce_min3A = arith.constant true
                %reduce_min3A_802 = vector.broadcast %reduce_min3A : i1 to vector<16xi1>
                %reduce_min3A_803 = arith.constant -2147483648 : i32
                %reduce_min3A_804 = vector.broadcast %reduce_min3A_803 : i32 to vector<16xi32>
                %reduce_min3A_805 = arith.xori %scan3A_800, %reduce_min3A_804 : vector<16xi32>
                %reduce_min3A_806 = tpu.scan <min>, %reduce_min3A_805 masked %reduce_min3A_802 : vector<16xi32>, vector<16xi1> -> vector<16xi32>
                %reduce_min3A_807 = arith.xori %reduce_min3A_806, %reduce_min3A_804 : vector<16xi32>
                %reduce_min3A_808 = vector.extract %reduce_min3A_807[15] : i32 from vector<16xi32>
                %eq3A_809 = arith.constant 0 : i32
                %eq3A_810 = vector.broadcast %eq3A_809 : i32 to vector<16xi32>
                %eq3A_811 = arith.cmpi eq, %iota3A, %eq3A_810 : vector<16xi32>
                %broadcast_in_dim3A_812 = vector.broadcast %reduce_min3A_808 : i32 to vector<16xi32>
                %broadcast_in_dim3A_813 = vector.broadcast %scan3A_781 : i32 to vector<16xi32>
                %broadcast_in_dim3A_814 = vector.broadcast %reduce_max3A_793 : f32 to vector<16xf32>
                tpu.vector_store_idx %arg13[%broadcast_in_dim3A_813], %broadcast_in_dim3A_814 masked %eq3A_811 : memref<32xf32, #tpu.memory_space<vmem>>[vector<16xi32>], vector<16xf32>, vector<16xi1>
                %gather3A_815 = tpu.vector_load_idx %arg11[%broadcast_in_dim3A_812] : memref<160xf32, #tpu.memory_space<vmem>>[vector<16xi32>], vector<16xf32>,
                tpu.vector_store_idx %arg14[%broadcast_in_dim3A_813], %gather3A_815 masked %eq3A_811 : memref<32xf32, #tpu.memory_space<vmem>>[vector<16xi32>], vector<16xf32>, vector<16xi1>
                %gather3A_816 = tpu.vector_load_idx %arg12[%broadcast_in_dim3A_812] : memref<160xi32, #tpu.memory_space<vmem>>[vector<16xi32>], vector<16xi32>,
                tpu.vector_store_idx %arg15[%broadcast_in_dim3A_813], %gather3A_816 masked %eq3A_811 : memref<32xi32, #tpu.memory_space<vmem>>[vector<16xi32>], vector<16xi32>, vector<16xi1>
                %broadcast_in_dim3A_817 = arith.constant -2.000000e+00 : f32
                %broadcast_in_dim3A_818 = vector.broadcast %broadcast_in_dim3A_817 : f32 to vector<16xf32>
                tpu.vector_store_idx %arg10[%broadcast_in_dim3A_812], %broadcast_in_dim3A_818 masked %eq3A_811 : memref<160xf32, #tpu.memory_space<vmem>>[vector<16xi32>], vector<16xf32>, vector<16xi1>
                %scan3A_819 = arith.constant 0 : i32
                scf.yield %scan3A_819 : i32
              }
              %scan3A_745 = arith.constant 32 : i32
              %get3A_746 = arith.constant 0 : index
              %get3A_747 = tpu.vector_load %arg13[%get3A_746] {strides = array<i32>} : memref<32xf32, #tpu.memory_space<vmem>>, vector<16xf32>,
              %swap3A_748 = arith.constant 0 : index
              %swap3A_749 = tpu.vector_load %arg10[%swap3A_748] {strides = array<i32>} : memref<160xf32, #tpu.memory_space<vmem>>, vector<16xf32>,
              tpu.vector_store %arg10[%swap3A_748], %get3A_747 {strides = array<i32>} : memref<160xf32, #tpu.memory_space<vmem>>, vector<16xf32>,
              %get3A_750 = arith.constant 0 : index
              %get3A_751 = tpu.vector_load %arg14[%get3A_750] {strides = array<i32>} : memref<32xf32, #tpu.memory_space<vmem>>, vector<16xf32>,
              %swap3A_752 = arith.constant 0 : index
              %swap3A_753 = tpu.vector_load %arg11[%swap3A_752] {strides = array<i32>} : memref<160xf32, #tpu.memory_space<vmem>>, vector<16xf32>,
              tpu.vector_store %arg11[%swap3A_752], %get3A_751 {strides = array<i32>} : memref<160xf32, #tpu.memory_space<vmem>>, vector<16xf32>,
              %get3A_754 = arith.constant 0 : index
              %get3A_755 = tpu.vector_load %arg15[%get3A_754] {strides = array<i32>} : memref<32xi32, #tpu.memory_space<vmem>>, vector<16xi32>,
              %swap3A_756 = arith.constant 0 : index
              %swap3A_757 = tpu.vector_load %arg12[%swap3A_756] {strides = array<i32>} : memref<160xi32, #tpu.memory_space<vmem>>, vector<16xi32>,
              tpu.vector_store %arg12[%swap3A_756], %get3A_755 {strides = array<i32>} : memref<160xi32, #tpu.memory_space<vmem>>, vector<16xi32>,
              %get3A_758 = arith.constant 16 : index
              %get3A_759 = tpu.vector_load %arg13[%get3A_758] {strides = array<i32>} : memref<32xf32, #tpu.memory_space<vmem>>, vector<16xf32>,
              %swap3A_760 = arith.constant 16 : index
              %swap3A_761 = tpu.vector_load %arg10[%swap3A_760] {strides = array<i32>} : memref<160xf32, #tpu.memory_space<vmem>>, vector<16xf32>,
              tpu.vector_store %arg10[%swap3A_760], %get3A_759 {strides = array<i32>} : memref<160xf32, #tpu.memory_space<vmem>>, vector<16xf32>,
              %get3A_762 = arith.constant 16 : index
              %get3A_763 = tpu.vector_load %arg14[%get3A_762] {strides = array<i32>} : memref<32xf32, #tpu.memory_space<vmem>>, vector<16xf32>,
              %swap3A_764 = arith.constant 16 : index
              %swap3A_765 = tpu.vector_load %arg11[%swap3A_764] {strides = array<i32>} : memref<160xf32, #tpu.memory_space<vmem>>, vector<16xf32>,
              tpu.vector_store %arg11[%swap3A_764], %get3A_763 {strides = array<i32>} : memref<160xf32, #tpu.memory_space<vmem>>, vector<16xf32>,
              %get3A_766 = arith.constant 16 : index
              %get3A_767 = tpu.vector_load %arg15[%get3A_766] {strides = array<i32>} : memref<32xi32, #tpu.memory_space<vmem>>, vector<16xi32>,
              %swap3A_768 = arith.constant 16 : index
              %swap3A_769 = tpu.vector_load %arg12[%swap3A_768] {strides = array<i32>} : memref<160xi32, #tpu.memory_space<vmem>>, vector<16xi32>,
              tpu.vector_store %arg12[%swap3A_768], %get3A_767 {strides = array<i32>} : memref<160xi32, #tpu.memory_space<vmem>>, vector<16xi32>,
              %get3A_770 = arith.constant 16 : index
              %get3A_771 = tpu.vector_load %arg13[%get3A_770] {strides = array<i32>} : memref<32xf32, #tpu.memory_space<vmem>>, vector<16xf32>,
              %slice3A_772 = vector.extract_strided_slice %get3A_771 {offsets = [15], sizes = [1], strides = [1]} : vector<16xf32> to vector<1xf32>
              %squeeze3A_773 = vector.extract %slice3A_772[0] : f32 from vector<1xf32>
              %swap3A_774 = arith.constant 0 : i32
              %swap3A_775 = arith.index_cast %swap3A_774 : i32 to index
              %swap3A_776 = memref.load %arg19[%swap3A_775] : memref<4xf32, #tpu.memory_space<smem>>
              memref.store %squeeze3A_773, %arg19[%swap3A_775] : memref<4xf32, #tpu.memory_space<smem>>
              %swap3A_777 = arith.constant 32 : i32
              %swap3A_778 = arith.constant 0 : i32
              %swap3A_779 = arith.index_cast %swap3A_778 : i32 to index
              %swap3A_780 = memref.load %arg18[%swap3A_779] : memref<4xi32, #tpu.memory_space<smem>>
              memref.store %swap3A_777, %arg18[%swap3A_779] : memref<4xi32, #tpu.memory_space<smem>>
            } else {
            }
          } else {
          }
          %scan3A_709 = arith.constant 0 : i32
          scf.yield %scan3A_709 : i32
        }
        %scan3A_673 = arith.constant 32 : i32
        %while3A_674 = arith.constant 0 : i32
        scf.yield %while3A_674 : i32
      }
      %get3A_541 = arith.constant 0 : i32
      %get3A_542 = arith.index_cast %get3A_541 : i32 to index
      %get3A_543 = memref.load %arg18[%get3A_542] : memref<4xi32, #tpu.memory_space<smem>>
      %scan3A_544 = arith.constant 0 : i32
      %scan3A_545 = arith.constant 0 : i32
      %scan3A_546 = arith.constant 10 : i32
      %scan3A_547 = arith.addi %scan3A_545, %scan3A_546 : i32
      %scan3A_548 = arith.constant 1 : i32
      %scan3A_549 = scf.for %scan3A_655 = %scan3A_545 to %scan3A_547 step %scan3A_548 iter_args(%scan3A_656 = %scan3A_544) -> (i32)  : i32 {
        %mul3A_657 = arith.constant 16 : i32
        %mul3A_658 = arith.muli %scan3A_655, %mul3A_657 : i32
        %add3A_659 = vector.broadcast %mul3A_658 : i32 to vector<16xi32>
        %add3A_660 = arith.addi %add3A_659, %iota3A : vector<16xi32>
        %mul3A_661 = arith.constant 16 : i32
        %mul3A_662 = arith.muli %scan3A_655, %mul3A_661 : i32
        %get3A_663 = arith.index_cast %mul3A_662 : i32 to index
        %get3A_664 = tpu.vector_load %arg10[%get3A_663] {strides = array<i32>} : memref<160xf32, #tpu.memory_space<vmem>>, vector<16xf32>,
        %lt3A = vector.broadcast %get3A_543 : i32 to vector<16xi32>
        %lt3A_665 = arith.cmpi slt, %add3A_660, %lt3A : vector<16xi32>
        %jit3A_666 = arith.constant -1.000000e+00 : f32
        %broadcast_in_dim3A_667 = vector.broadcast %jit3A_666 : f32 to vector<16xf32>
        %select_n3A_668 = arith.select %lt3A_665, %get3A_664, %broadcast_in_dim3A_667 : vector<16xi1>, vector<16xf32>
        %mul3A_669 = arith.constant 16 : i32
        %mul3A_670 = arith.muli %scan3A_655, %mul3A_669 : i32
        %swap3A_671 = arith.index_cast %mul3A_670 : i32 to index
        %swap3A_672 = tpu.vector_load %arg10[%swap3A_671] {strides = array<i32>} : memref<160xf32, #tpu.memory_space<vmem>>, vector<16xf32>,
        tpu.vector_store %arg10[%swap3A_671], %select_n3A_668 {strides = array<i32>} : memref<160xf32, #tpu.memory_space<vmem>>, vector<16xf32>,
        %scan3A_673 = arith.constant 0 : i32
        scf.yield %scan3A_673 : i32
      }
      %scan3A_550 = arith.constant 10 : i32
      %scan3A_551 = arith.constant 0 : i32
      %scan3A_552 = arith.constant 0 : i32
      %scan3A_553 = arith.constant 32 : i32
      %scan3A_554 = arith.addi %scan3A_552, %scan3A_553 : i32
      %scan3A_555 = arith.constant 1 : i32
      %scan3A_556 = scf.for %scan3A_655 = %scan3A_552 to %scan3A_554 step %scan3A_555 iter_args(%scan3A_656 = %scan3A_551) -> (i32)  : i32 {
        %broadcast_in_dim3A_657 = arith.constant -2.000000e+00 : f32
        %broadcast_in_dim3A_658 = vector.broadcast %broadcast_in_dim3A_657 : f32 to vector<16xf32>
        %scan3A_659 = arith.constant 0 : i32
        %scan3A_660 = arith.constant 10 : i32
        %scan3A_661 = arith.addi %scan3A_659, %scan3A_660 : i32
        %scan3A_662 = arith.constant 1 : i32
        %scan3A_663 = scf.for %scan3A_692 = %scan3A_659 to %scan3A_661 step %scan3A_662 iter_args(%scan3A_693 = %broadcast_in_dim3A_658) -> (vector<16xf32>)  : i32 {
          %mul3A_694 = arith.constant 16 : i32
          %mul3A_695 = arith.muli %scan3A_692, %mul3A_694 : i32
          %get3A_696 = arith.index_cast %mul3A_695 : i32 to index
          %get3A_697 = tpu.vector_load %arg10[%get3A_696] {strides = array<i32>} : memref<160xf32, #tpu.memory_space<vmem>>, vector<16xf32>,
          %max3A = arith.maximumf %scan3A_693, %get3A_697 : vector<16xf32>
          scf.yield %max3A : vector<16xf32>
        }
        %scan3A_664 = arith.constant 10 : i32
        %reduce_max3A = arith.constant true
        %reduce_max3A_665 = vector.broadcast %reduce_max3A : i1 to vector<16xi1>
        %reduce_max3A_666 = tpu.scan <max>, %scan3A_663 masked %reduce_max3A_665 : vector<16xf32>, vector<16xi1> -> vector<16xf32>
        %reduce_max3A_667 = vector.extract %reduce_max3A_666[15] : f32 from vector<16xf32>
        %broadcast_in_dim3A_668 = arith.constant 160 : i32
        %broadcast_in_dim3A_669 = vector.broadcast %broadcast_in_dim3A_668 : i32 to vector<16xi32>
        %scan3A_670 = arith.constant 0 : i32
        %scan3A_671 = arith.constant 10 : i32
        %scan3A_672 = arith.addi %scan3A_670, %scan3A_671 : i32
        %scan3A_673 = arith.constant 1 : i32
        %scan3A_674 = scf.for %scan3A_692 = %scan3A_670 to %scan3A_672 step %scan3A_673 iter_args(%scan3A_693 = %broadcast_in_dim3A_669) -> (vector<16xi32>)  : i32 {
          %mul3A_694 = arith.constant 16 : i32
          %mul3A_695 = arith.muli %scan3A_692, %mul3A_694 : i32
          %get3A_696 = arith.index_cast %mul3A_695 : i32 to index
          %get3A_697 = tpu.vector_load %arg10[%get3A_696] {strides = array<i32>} : memref<160xf32, #tpu.memory_space<vmem>>, vector<16xf32>,
          %eq3A_698 = vector.broadcast %reduce_max3A_667 : f32 to vector<16xf32>
          %eq3A_699 = arith.cmpf oeq, %get3A_697, %eq3A_698 : vector<16xf32>
          %mul3A_700 = arith.constant 16 : i32
          %mul3A_701 = arith.muli %scan3A_692, %mul3A_700 : i32
          %add3A_702 = vector.broadcast %mul3A_701 : i32 to vector<16xi32>
          %add3A_703 = arith.addi %add3A_702, %iota3A : vector<16xi32>
          %jit3A_704 = arith.constant 160 : i32
          %broadcast_in_dim3A_705 = vector.broadcast %jit3A_704 : i32 to vector<16xi32>
          %select_n3A_706 = arith.select %eq3A_699, %add3A_703, %broadcast_in_dim3A_705 : vector<16xi1>, vector<16xi32>
          %min3A = arith.minsi %scan3A_693, %select_n3A_706 : vector<16xi32>
          scf.yield %min3A : vector<16xi32>
        }
        %scan3A_675 = arith.constant 10 : i32
        %reduce_min3A = arith.constant true
        %reduce_min3A_676 = vector.broadcast %reduce_min3A : i1 to vector<16xi1>
        %reduce_min3A_677 = arith.constant -2147483648 : i32
        %reduce_min3A_678 = vector.broadcast %reduce_min3A_677 : i32 to vector<16xi32>
        %reduce_min3A_679 = arith.xori %scan3A_674, %reduce_min3A_678 : vector<16xi32>
        %reduce_min3A_680 = tpu.scan <min>, %reduce_min3A_679 masked %reduce_min3A_676 : vector<16xi32>, vector<16xi1> -> vector<16xi32>
        %reduce_min3A_681 = arith.xori %reduce_min3A_680, %reduce_min3A_678 : vector<16xi32>
        %reduce_min3A_682 = vector.extract %reduce_min3A_681[15] : i32 from vector<16xi32>
        %eq3A = arith.constant 0 : i32
        %eq3A_683 = vector.broadcast %eq3A : i32 to vector<16xi32>
        %eq3A_684 = arith.cmpi eq, %iota3A, %eq3A_683 : vector<16xi32>
        %broadcast_in_dim3A_685 = vector.broadcast %reduce_min3A_682 : i32 to vector<16xi32>
        %broadcast_in_dim3A_686 = vector.broadcast %scan3A_655 : i32 to vector<16xi32>
        %broadcast_in_dim3A_687 = vector.broadcast %reduce_max3A_667 : f32 to vector<16xf32>
        tpu.vector_store_idx %arg13[%broadcast_in_dim3A_686], %broadcast_in_dim3A_687 masked %eq3A_684 : memref<32xf32, #tpu.memory_space<vmem>>[vector<16xi32>], vector<16xf32>, vector<16xi1>
        %gather3A = tpu.vector_load_idx %arg11[%broadcast_in_dim3A_685] : memref<160xf32, #tpu.memory_space<vmem>>[vector<16xi32>], vector<16xf32>,
        tpu.vector_store_idx %arg14[%broadcast_in_dim3A_686], %gather3A masked %eq3A_684 : memref<32xf32, #tpu.memory_space<vmem>>[vector<16xi32>], vector<16xf32>, vector<16xi1>
        %gather3A_688 = tpu.vector_load_idx %arg12[%broadcast_in_dim3A_685] : memref<160xi32, #tpu.memory_space<vmem>>[vector<16xi32>], vector<16xi32>,
        tpu.vector_store_idx %arg15[%broadcast_in_dim3A_686], %gather3A_688 masked %eq3A_684 : memref<32xi32, #tpu.memory_space<vmem>>[vector<16xi32>], vector<16xi32>, vector<16xi1>
        %broadcast_in_dim3A_689 = arith.constant -2.000000e+00 : f32
        %broadcast_in_dim3A_690 = vector.broadcast %broadcast_in_dim3A_689 : f32 to vector<16xf32>
        tpu.vector_store_idx %arg10[%broadcast_in_dim3A_685], %broadcast_in_dim3A_690 masked %eq3A_684 : memref<160xf32, #tpu.memory_space<vmem>>[vector<16xi32>], vector<16xf32>, vector<16xi1>
        %scan3A_691 = arith.constant 0 : i32
        scf.yield %scan3A_691 : i32
      }
      %scan3A_557 = arith.constant 32 : i32
      %get3A_558 = arith.constant 0 : index
      %get3A_559 = tpu.vector_load %arg13[%get3A_558] {strides = array<i32>} : memref<32xf32, #tpu.memory_space<vmem>>, vector<16xf32>,
      %swap3A_560 = arith.constant 0 : index
      %swap3A_561 = tpu.vector_load %arg10[%swap3A_560] {strides = array<i32>} : memref<160xf32, #tpu.memory_space<vmem>>, vector<16xf32>,
      tpu.vector_store %arg10[%swap3A_560], %get3A_559 {strides = array<i32>} : memref<160xf32, #tpu.memory_space<vmem>>, vector<16xf32>,
      %get3A_562 = arith.constant 0 : index
      %get3A_563 = tpu.vector_load %arg14[%get3A_562] {strides = array<i32>} : memref<32xf32, #tpu.memory_space<vmem>>, vector<16xf32>,
      %swap3A_564 = arith.constant 0 : index
      %swap3A_565 = tpu.vector_load %arg11[%swap3A_564] {strides = array<i32>} : memref<160xf32, #tpu.memory_space<vmem>>, vector<16xf32>,
      tpu.vector_store %arg11[%swap3A_564], %get3A_563 {strides = array<i32>} : memref<160xf32, #tpu.memory_space<vmem>>, vector<16xf32>,
      %get3A_566 = arith.constant 0 : index
      %get3A_567 = tpu.vector_load %arg15[%get3A_566] {strides = array<i32>} : memref<32xi32, #tpu.memory_space<vmem>>, vector<16xi32>,
      %swap3A_568 = arith.constant 0 : index
      %swap3A_569 = tpu.vector_load %arg12[%swap3A_568] {strides = array<i32>} : memref<160xi32, #tpu.memory_space<vmem>>, vector<16xi32>,
      tpu.vector_store %arg12[%swap3A_568], %get3A_567 {strides = array<i32>} : memref<160xi32, #tpu.memory_space<vmem>>, vector<16xi32>,
      %get3A_570 = arith.constant 16 : index
      %get3A_571 = tpu.vector_load %arg13[%get3A_570] {strides = array<i32>} : memref<32xf32, #tpu.memory_space<vmem>>, vector<16xf32>,
      %swap3A_572 = arith.constant 16 : index
      %swap3A_573 = tpu.vector_load %arg10[%swap3A_572] {strides = array<i32>} : memref<160xf32, #tpu.memory_space<vmem>>, vector<16xf32>,
      tpu.vector_store %arg10[%swap3A_572], %get3A_571 {strides = array<i32>} : memref<160xf32, #tpu.memory_space<vmem>>, vector<16xf32>,
      %get3A_574 = arith.constant 16 : index
      %get3A_575 = tpu.vector_load %arg14[%get3A_574] {strides = array<i32>} : memref<32xf32, #tpu.memory_space<vmem>>, vector<16xf32>,
      %swap3A_576 = arith.constant 16 : index
      %swap3A_577 = tpu.vector_load %arg11[%swap3A_576] {strides = array<i32>} : memref<160xf32, #tpu.memory_space<vmem>>, vector<16xf32>,
      tpu.vector_store %arg11[%swap3A_576], %get3A_575 {strides = array<i32>} : memref<160xf32, #tpu.memory_space<vmem>>, vector<16xf32>,
      %get3A_578 = arith.constant 16 : index
      %get3A_579 = tpu.vector_load %arg15[%get3A_578] {strides = array<i32>} : memref<32xi32, #tpu.memory_space<vmem>>, vector<16xi32>,
      %swap3A_580 = arith.constant 16 : index
      %swap3A_581 = tpu.vector_load %arg12[%swap3A_580] {strides = array<i32>} : memref<160xi32, #tpu.memory_space<vmem>>, vector<16xi32>,
      tpu.vector_store %arg12[%swap3A_580], %get3A_579 {strides = array<i32>} : memref<160xi32, #tpu.memory_space<vmem>>, vector<16xi32>,
      %get3A_582 = arith.constant 16 : index
      %get3A_583 = tpu.vector_load %arg13[%get3A_582] {strides = array<i32>} : memref<32xf32, #tpu.memory_space<vmem>>, vector<16xf32>,
      %slice3A_584 = vector.extract_strided_slice %get3A_583 {offsets = [15], sizes = [1], strides = [1]} : vector<16xf32> to vector<1xf32>
      %squeeze3A_585 = vector.extract %slice3A_584[0] : f32 from vector<1xf32>
      %swap3A_586 = arith.constant 0 : i32
      %swap3A_587 = arith.index_cast %swap3A_586 : i32 to index
      %swap3A_588 = memref.load %arg19[%swap3A_587] : memref<4xf32, #tpu.memory_space<smem>>
      memref.store %squeeze3A_585, %arg19[%swap3A_587] : memref<4xf32, #tpu.memory_space<smem>>
      %swap3A_589 = arith.constant 32 : i32
      %swap3A_590 = arith.constant 0 : i32
      %swap3A_591 = arith.index_cast %swap3A_590 : i32 to index
      %swap3A_592 = memref.load %arg18[%swap3A_591] : memref<4xi32, #tpu.memory_space<smem>>
      memref.store %swap3A_589, %arg18[%swap3A_591] : memref<4xi32, #tpu.memory_space<smem>>
      %get3A_593 = arith.constant 0 : index
      %get3A_594 = tpu.vector_load %arg14[%get3A_593] {strides = array<i32>} : memref<32xf32, #tpu.memory_space<vmem>>, vector<16xf32>,
      %get3A_595 = arith.constant 16 : index
      %get3A_596 = tpu.vector_load %arg14[%get3A_595] {strides = array<i32>} : memref<32xf32, #tpu.memory_space<vmem>>, vector<16xf32>,
      %neg3A = arith.constant 0.000000e+00 : f32
      %neg3A_597 = vector.broadcast %neg3A : f32 to vector<16xf32>
      %neg3A_598 = arith.subf %neg3A_597, %get3A_594 : vector<16xf32>
      %exp3A = math.exp %neg3A_598 : vector<16xf32>
      %add3A_599 = arith.constant 1.000000e+00 : f32
      %add3A_600 = vector.broadcast %add3A_599 : f32 to vector<16xf32>
      %add3A_601 = arith.addf %add3A_600, %exp3A : vector<16xf32>
      %div3A = arith.constant 1.000000e+00 : f32
      %div3A_602 = vector.broadcast %div3A : f32 to vector<16xf32>
      %div3A_603 = arith.divf %div3A_602, %add3A_601 : vector<16xf32>
      %sub3A_604 = arith.constant 5.000000e-01 : f32
      %sub3A_605 = vector.broadcast %sub3A_604 : f32 to vector<16xf32>
      %sub3A_606 = arith.subf %div3A_603, %sub3A_605 : vector<16xf32>
      %neg3A_607 = arith.constant 0.000000e+00 : f32
      %neg3A_608 = vector.broadcast %neg3A_607 : f32 to vector<16xf32>
      %neg3A_609 = arith.subf %neg3A_608, %get3A_596 : vector<16xf32>
      %exp3A_610 = math.exp %neg3A_609 : vector<16xf32>
      %add3A_611 = arith.constant 1.000000e+00 : f32
      %add3A_612 = vector.broadcast %add3A_611 : f32 to vector<16xf32>
      %add3A_613 = arith.addf %add3A_612, %exp3A_610 : vector<16xf32>
      %div3A_614 = arith.constant 1.000000e+00 : f32
      %div3A_615 = vector.broadcast %div3A_614 : f32 to vector<16xf32>
      %div3A_616 = arith.divf %div3A_615, %add3A_613 : vector<16xf32>
      %sub3A_617 = arith.constant 5.000000e-01 : f32
      %sub3A_618 = vector.broadcast %sub3A_617 : f32 to vector<16xf32>
      %sub3A_619 = arith.subf %div3A_616, %sub3A_618 : vector<16xf32>
      %abs3A = math.absf %sub3A_606 : vector<16xf32>
      %reduce_sum3A_620 = arith.constant true
      %reduce_sum3A_621 = vector.broadcast %reduce_sum3A_620 : i1 to vector<16xi1>
      %reduce_sum3A_622 = tpu.scan <sum>, %abs3A masked %reduce_sum3A_621 : vector<16xf32>, vector<16xi1> -> vector<16xf32>
      %reduce_sum3A_623 = vector.extract %reduce_sum3A_622[15] : f32 from vector<16xf32>
      %abs3A_624 = math.absf %sub3A_619 : vector<16xf32>
      %reduce_sum3A_625 = arith.constant true
      %reduce_sum3A_626 = vector.broadcast %reduce_sum3A_625 : i1 to vector<16xi1>
      %reduce_sum3A_627 = tpu.scan <sum>, %abs3A_624 masked %reduce_sum3A_626 : vector<16xf32>, vector<16xi1> -> vector<16xf32>
      %reduce_sum3A_628 = vector.extract %reduce_sum3A_627[15] : f32 from vector<16xf32>
      %add3A_629 = arith.addf %reduce_sum3A_623, %reduce_sum3A_628 : f32
      %broadcast_in_dim3A_630 = vector.broadcast %add3A_629 : f32 to vector<16xf32>
      %add3A_631 = arith.constant 9.99999993E-9 : f32
      %add3A_632 = vector.broadcast %add3A_631 : f32 to vector<16xf32>
      %add3A_633 = arith.addf %broadcast_in_dim3A_630, %add3A_632 : vector<16xf32>
      %get3A_634 = arith.constant 0 : index
      %get3A_635 = tpu.vector_load %arg15[%get3A_634] {strides = array<i32>} : memref<32xi32, #tpu.memory_space<vmem>>, vector<16xi32>,
      %add3A_636 = vector.broadcast %mul3A_13 : i32 to vector<16xi32>
      %add3A_637 = arith.addi %add3A_636, %get3A_635 : vector<16xi32>
      %swap3A_638 = arith.constant 0 : index
      %swap3A_639 = tpu.vector_load %arg17[%swap3A_638] {strides = array<i32>} : memref<32xi32, #tpu.memory_space<vmem>>, vector<16xi32>,
      tpu.vector_store %arg17[%swap3A_638], %add3A_637 {strides = array<i32>} : memref<32xi32, #tpu.memory_space<vmem>>, vector<16xi32>,
      %get3A_640 = arith.constant 16 : index
      %get3A_641 = tpu.vector_load %arg15[%get3A_640] {strides = array<i32>} : memref<32xi32, #tpu.memory_space<vmem>>, vector<16xi32>,
      %add3A_642 = vector.broadcast %mul3A_13 : i32 to vector<16xi32>
      %add3A_643 = arith.addi %add3A_642, %get3A_641 : vector<16xi32>
      %swap3A_644 = arith.constant 16 : index
      %swap3A_645 = tpu.vector_load %arg17[%swap3A_644] {strides = array<i32>} : memref<32xi32, #tpu.memory_space<vmem>>, vector<16xi32>,
      tpu.vector_store %arg17[%swap3A_644], %add3A_643 {strides = array<i32>} : memref<32xi32, #tpu.memory_space<vmem>>, vector<16xi32>,
      %div3A_646 = arith.divf %sub3A_606, %add3A_633 : vector<16xf32>
      %swap3A_647 = arith.constant 0 : index
      %swap3A_648 = tpu.vector_load %arg16[%swap3A_647] {strides = array<i32>} : memref<32xf32, #tpu.memory_space<vmem>>, vector<16xf32>,
      tpu.vector_store %arg16[%swap3A_647], %div3A_646 {strides = array<i32>} : memref<32xf32, #tpu.memory_space<vmem>>, vector<16xf32>,
      %div3A_649 = arith.divf %sub3A_619, %add3A_633 : vector<16xf32>
      %swap3A_650 = arith.constant 16 : index
      %swap3A_651 = tpu.vector_load %arg16[%swap3A_650] {strides = array<i32>} : memref<32xf32, #tpu.memory_space<vmem>>, vector<16xf32>,
      tpu.vector_store %arg16[%swap3A_650], %div3A_649 {strides = array<i32>} : memref<32xf32, #tpu.memory_space<vmem>>, vector<16xf32>,
      %dma_start3A = arith.constant 0 : i32
      %dma_start3A_652 = tpu.memref_slice %arg4[%dma_start3A] : memref<12800000xf32, #tpu.memory_space<hbm>> -> memref<12800000xf32, #tpu.memory_space<hbm>>
      tpu.enqueue_indirect_dma source(%arg16 : memref<32xf32, #tpu.memory_space<vmem>>) target(%dma_start3A_652 : memref<12800000xf32, #tpu.memory_space<hbm>>) offsets(%arg17 : memref<32xi32, #tpu.memory_space<vmem>>) semaphore(%arg22 : memref<!tpu.dma_semaphore, #tpu.memory_space<semaphore_mem>>)
      %dma_wait3A = arith.constant 0 : i32
      %dma_wait3A_653 = tpu.memref_slice %arg4[%dma_wait3A] : memref<12800000xf32, #tpu.memory_space<hbm>> -> memref<12800000xf32, #tpu.memory_space<hbm>>
      tpu.wait_indirect_dma semaphore(%arg22 : memref<!tpu.dma_semaphore, #tpu.memory_space<semaphore_mem>>) src(%arg16 : memref<32xf32, #tpu.memory_space<vmem>>) dst(%dma_wait3A_653 : memref<12800000xf32, #tpu.memory_space<hbm>>)
      %scan3A_654 = arith.constant 0 : i32
      scf.yield %scan3A_654 : i32
    }
    %scan3A_8 = arith.constant 4 : i32
    return
  }
}

module attributes {stable_mosaic.version = 14 : i64} {
  func.func @_tc_body(%arg0: i32, %arg1: memref<8x100000xf32, #tpu.memory_space<vmem>>, %arg2: memref<8x100000xf32, #tpu.memory_space<vmem>>, %arg3: memref<8x256xf32, #tpu.memory_space<vmem>>) attributes {dimension_semantics = [#tpu.dimension_semantics<arbitrary>], iteration_bounds = array<i64: 16>, scalar_prefetch = 0 : i64, scratch_operands = 0 : i64, tpu.core_type = #tpu.core_type<tc>, window_params = [{transform_indices = @transform_0, window_bounds = array<i64: 8, 100000>}, {transform_indices = @transform_1, window_bounds = array<i64: 8, 100000>}, {transform_indices = @transform_2, window_bounds = array<i64: 8, 256>}]} {
    %broadcast_in_dim3A = arith.constant 0.000000e+00 : f32
    %broadcast_in_dim3A_0 = vector.broadcast %broadcast_in_dim3A : f32 to vector<8x100000xf32>
    %swap3A = arith.constant 0 : index
    %swap3A_1 = arith.constant 0 : index
    %swap3A_2 = vector.load %arg2[%swap3A, %swap3A_1] : memref<8x100000xf32, #tpu.memory_space<vmem>>, vector<8x100000xf32>
    tpu.vector_store %arg2[%swap3A, %swap3A_1], %broadcast_in_dim3A_0 {strides = array<i32>} : memref<8x100000xf32, #tpu.memory_space<vmem>>, vector<8x100000xf32>,
    %iota3A = tpu.iota {dimensions = array<i32: 1>} : vector<8x128xi32>
    %iota3A_3 = tpu.iota {dimensions = array<i32: 1>} : vector<8x256xi32>
    %broadcast_in_dim3A_4 = arith.constant -1.000000e+00 : f32
    %broadcast_in_dim3A_5 = vector.broadcast %broadcast_in_dim3A_4 : f32 to vector<8x256xf32>
    %scan3A = arith.constant 0 : i32
    %scan3A_6 = arith.constant 196 : i32
    %scan3A_7 = arith.addi %scan3A, %scan3A_6 : i32
    %scan3A_8 = arith.constant 1 : i32
    %scan3A_9 = scf.for %scan3A_14 = %scan3A to %scan3A_7 step %scan3A_8 iter_args(%scan3A_15 = %broadcast_in_dim3A_5) -> (vector<8x256xf32>)  : i32 {
      %mul3A = arith.constant 512 : i32
      %mul3A_16 = arith.muli %scan3A_14, %mul3A : i32
      %add3A = arith.constant 0 : i32
      %add3A_17 = arith.addi %mul3A_16, %add3A : i32
      %get3A = arith.constant 0 : index
      %get3A_18 = arith.index_cast %add3A_17 : i32 to index
      %get3A_19 = vector.load %arg1[%get3A, %get3A_18] : memref<8x100000xf32, #tpu.memory_space<vmem>>, vector<8x128xf32>
      %add3A_20 = vector.broadcast %add3A_17 : i32 to vector<8x128xi32>
      %add3A_21 = arith.addi %add3A_20, %iota3A : vector<8x128xi32>
      %lt3A = arith.constant 100000 : i32
      %lt3A_22 = vector.broadcast %lt3A : i32 to vector<8x128xi32>
      %lt3A_23 = arith.cmpi slt, %add3A_21, %lt3A_22 : vector<8x128xi32>
      %abs3A = math.absf %get3A_19 : vector<8x128xf32>
      %jit3A = arith.constant -1.000000e+00 : f32
      %broadcast_in_dim3A_24 = vector.broadcast %jit3A : f32 to vector<8x128xf32>
      %select_n3A = arith.select %lt3A_23, %abs3A, %broadcast_in_dim3A_24 : vector<8x128xi1>, vector<8x128xf32>
      %add3A_25 = arith.constant 128 : i32
      %add3A_26 = arith.addi %mul3A_16, %add3A_25 : i32
      %get3A_27 = arith.constant 0 : index
      %get3A_28 = arith.index_cast %add3A_26 : i32 to index
      %get3A_29 = vector.load %arg1[%get3A_27, %get3A_28] : memref<8x100000xf32, #tpu.memory_space<vmem>>, vector<8x128xf32>
      %add3A_30 = vector.broadcast %add3A_26 : i32 to vector<8x128xi32>
      %add3A_31 = arith.addi %add3A_30, %iota3A : vector<8x128xi32>
      %lt3A_32 = arith.constant 100000 : i32
      %lt3A_33 = vector.broadcast %lt3A_32 : i32 to vector<8x128xi32>
      %lt3A_34 = arith.cmpi slt, %add3A_31, %lt3A_33 : vector<8x128xi32>
      %abs3A_35 = math.absf %get3A_29 : vector<8x128xf32>
      %jit3A_36 = arith.constant -1.000000e+00 : f32
      %broadcast_in_dim3A_37 = vector.broadcast %jit3A_36 : f32 to vector<8x128xf32>
      %select_n3A_38 = arith.select %lt3A_34, %abs3A_35, %broadcast_in_dim3A_37 : vector<8x128xi1>, vector<8x128xf32>
      %max3A = arith.maximumf %select_n3A, %select_n3A_38 : vector<8x128xf32>
      %add3A_39 = arith.constant 256 : i32
      %add3A_40 = arith.addi %mul3A_16, %add3A_39 : i32
      %get3A_41 = arith.constant 0 : index
      %get3A_42 = arith.index_cast %add3A_40 : i32 to index
      %get3A_43 = vector.load %arg1[%get3A_41, %get3A_42] : memref<8x100000xf32, #tpu.memory_space<vmem>>, vector<8x128xf32>
      %add3A_44 = vector.broadcast %add3A_40 : i32 to vector<8x128xi32>
      %add3A_45 = arith.addi %add3A_44, %iota3A : vector<8x128xi32>
      %lt3A_46 = arith.constant 100000 : i32
      %lt3A_47 = vector.broadcast %lt3A_46 : i32 to vector<8x128xi32>
      %lt3A_48 = arith.cmpi slt, %add3A_45, %lt3A_47 : vector<8x128xi32>
      %abs3A_49 = math.absf %get3A_43 : vector<8x128xf32>
      %jit3A_50 = arith.constant -1.000000e+00 : f32
      %broadcast_in_dim3A_51 = vector.broadcast %jit3A_50 : f32 to vector<8x128xf32>
      %select_n3A_52 = arith.select %lt3A_48, %abs3A_49, %broadcast_in_dim3A_51 : vector<8x128xi1>, vector<8x128xf32>
      %max3A_53 = arith.maximumf %max3A, %select_n3A_52 : vector<8x128xf32>
      %add3A_54 = arith.constant 384 : i32
      %add3A_55 = arith.addi %mul3A_16, %add3A_54 : i32
      %get3A_56 = arith.constant 0 : index
      %get3A_57 = arith.index_cast %add3A_55 : i32 to index
      %get3A_58 = vector.load %arg1[%get3A_56, %get3A_57] : memref<8x100000xf32, #tpu.memory_space<vmem>>, vector<8x128xf32>
      %add3A_59 = vector.broadcast %add3A_55 : i32 to vector<8x128xi32>
      %add3A_60 = arith.addi %add3A_59, %iota3A : vector<8x128xi32>
      %lt3A_61 = arith.constant 100000 : i32
      %lt3A_62 = vector.broadcast %lt3A_61 : i32 to vector<8x128xi32>
      %lt3A_63 = arith.cmpi slt, %add3A_60, %lt3A_62 : vector<8x128xi32>
      %abs3A_64 = math.absf %get3A_58 : vector<8x128xf32>
      %jit3A_65 = arith.constant -1.000000e+00 : f32
      %broadcast_in_dim3A_66 = vector.broadcast %jit3A_65 : f32 to vector<8x128xf32>
      %select_n3A_67 = arith.select %lt3A_63, %abs3A_64, %broadcast_in_dim3A_66 : vector<8x128xi1>, vector<8x128xf32>
      %max3A_68 = arith.maximumf %max3A_53, %select_n3A_67 : vector<8x128xf32>
      %reduce_max3A = arith.constant dense<0xFF800000> : vector<8xf32>
      %reduce_max3A_69 = vector.multi_reduction <maximumf>, %max3A_68, %reduce_max3A [1] : vector<8x128xf32> to vector<8xf32>
      %broadcast_in_dim3A_70 = vector.shape_cast %reduce_max3A_69 : vector<8xf32> to vector<8x1xf32>
      %eq3A = vector.broadcast %scan3A_14 : i32 to vector<8x256xi32>
      %eq3A_71 = arith.cmpi eq, %iota3A_3, %eq3A : vector<8x256xi32>
      %broadcast_in_dim3A_72 = vector.shape_cast %broadcast_in_dim3A_70 : vector<8x1xf32> to vector<8x1xf32>
      %broadcast_in_dim3A_73 = vector.broadcast %broadcast_in_dim3A_72 : vector<8x1xf32> to vector<8x256xf32>
      %select_n3A_74 = arith.select %eq3A_71, %broadcast_in_dim3A_73, %scan3A_15 : vector<8x256xi1>, vector<8x256xf32>
      scf.yield %select_n3A_74 : vector<8x256xf32>
    }
    %scan3A_10 = arith.constant 196 : i32
    %swap3A_11 = arith.constant 0 : index
    %swap3A_12 = arith.constant 0 : index
    %swap3A_13 = vector.load %arg3[%swap3A_11, %swap3A_12] : memref<8x256xf32, #tpu.memory_space<vmem>>, vector<8x256xf32>
    tpu.vector_store %arg3[%swap3A_11, %swap3A_12], %scan3A_9 {strides = array<i32>} : memref<8x256xf32, #tpu.memory_space<vmem>>, vector<8x256xf32>,
    return
  }
  func.func @transform_0(%arg0: i32) -> (i32, i32) {
    %c0_i32 = arith.constant 0 : i32
    %c0_i32_0 = arith.constant 0 : i32
    return %arg0, %c0_i32 : i32, i32
  }
  func.func @transform_1(%arg0: i32) -> (i32, i32) {
    %c0_i32 = arith.constant 0 : i32
    %c0_i32_0 = arith.constant 0 : i32
    return %arg0, %c0_i32 : i32, i32
  }
  func.func @transform_2(%arg0: i32) -> (i32, i32) {
    %c0_i32 = arith.constant 0 : i32
    %c0_i32_0 = arith.constant 0 : i32
    return %arg0, %c0_i32 : i32, i32
  }
}

</mosaic_0001>

<sc_bundles>
// kernel: kernel.4.cloned.1.call-start
scs
__scs_entry_jumppad:
0x0: {  	(pc) =	sbr.rel $0x88, $3  }
0x1: {  	(tag) =	ssettag $0x0;
	lr =	simm.s32 $0x1  }
0x2: {  	[smem:$0x3FA0] =	sst lr;
	_ =	strace $0xD0000000  }
0x3: {  	_ = 	snop  }
0x4: {  	_ = 	snop  }
0x5: {  	_ = 	snop  }
0x6: {  	_ = 	snop  }
0x7: {  	_ = 	snop  }
__scs_overlays_trampoline_lowered:
0x8: {  	[smem:$0x3FAF] =	sst s0  }
0x9: {  	[smem:$0x3FB0] =	sst s1  }
0xa: {  	[smem:$0x3FB1] =	sst s2  }
0xb: {  	[smem:$0x3FB2] =	sst s3  }
0xc: {  	[smem:$0x3FB3] =	sst s4  }
0xd: {  	[smem:$0x3FB4] =	sst s5  }
0xe: {  	[smem:$0x3FB5] =	sst s6  }
0xf: {  	[smem:$0x3FB6] =	sst s7  }
0x10: {  	[smem:$0x3FB7] =	sst s8  }
0x11: {  	[smem:$0x3FB8] =	sst s9;
	s0 =	simm.s32 @!p0 $0x0  }
0x12: {  	s1 =	sld [smem:$0x3F9E];
	s0 =	simm.s32 @p0 $0x1  }
0x13: {  	[smem:$0x3FB9] =	sst s0;
	s0 =	simm.s32 @!p1 $0x0  }
0x14: {  	s2 =	sld [smem:$0x3F9D];
	s0 =	simm.s32 @p1 $0x1  }
0x15: {  	[smem:$0x3FBA] =	sst s0;
	s0 =	simm.s32 @!p2 $0x0  }
0x16: {  	s3 =	sld [smem:$0x3FDB];
	s0 =	simm.s32 @p2 $0x1  }
0x17: {  	s4 =	simm.s32 $0x1BF5;
	[smem:$0x3FBC] =	sst s0  }
0x18: {  	s0 =	sld [smem:$0x3F9F];
	_ =	swait.ge [sflag:s4], $0x0  }
0x19: {  	s7 =	sld [smem:$0x3FA0]  }
0x1a: {  	s8 =	sadd.s32 $0xFFFFE003, lr  }
0x1b: {  	s9 =	sadd.s32 $0xFFFFFEF7, lr;
	s5 =	simm.s32 $0xFFFFFFFF;
	p2 =	slt.u32 s8, $0xFFFFF086  }
0x1c: {  	p1 =	slt.u32 s9, $0xF7A;
	s5 =	simm.s32 @!p2 $0x0  }
0x1d: {  	s5 =	simm.s32 @p1 $0x1;
	p0 =	seq.s32 s7, s2  }
0x1e: {  	s7 =	smul.u32 @!p0 $0xF7A, s2;
	p2 =	seq.s32 @!p0 s5, $0x0  }
0x1f: {  	s9 =	smul.u32 $0xF7A, s1;
	s8 =	simm.s32 @!p0 $0x1BF5;
	p2 =	por !p2, p0  }
0x20: {  	[sflag:s8] =	ssyncset.s32 @!p0 $0xFFFFF086;
	s6 =	sadd.s32 @!p0 s3, s7;
	s7 =	simm.s32 @!p0 $0x108  }
0x21: {  	s3 =	sadd.s32 s3, s9;
	s6 =	sadd.s32 @!p0 $0x88, s6;
	s7 =	simm.s32 @p2 $0x1082  }
0x22: {  	[simem:s7], [sflag:s8] =	dma.local @!p0 [hbm:s6], $0xF7A  }
0x23: {  	s9 =	sor.u32 $0xD0000000, s2;
	s6 =	simm.s32 $0x108;
	_ =	swait.ge @!p0 [sflag:s8], $0x0  }
0x24: {  	s3 =	sadd.s32 $0x88, s3;
	s6 =	simm.s32 @!p1 $0x1082;
	[sflag:s4] =	ssyncset.s32 $0xFFFFF086  }
0x25: {  	[simem:s6], [sflag:s4] =	dma.local [hbm:s3], $0xF7A  }
0x26: {  	[smem:$0x3FA0] =	sst s1;
	(tag) =	ssettag s2;
	_ =	strace s9  }
0x27: {  	s1 =	sld [smem:$0x3FB0]  }
0x28: {  	s2 =	sld [smem:$0x3FB1]  }
0x29: {  	s4 =	sld [smem:$0x3FB3]  }
0x2a: {  	p0 =	seq.s32 s5, $0x0;
	s5 =	sld [smem:$0x3FB4]  }
0x2b: {  	s6 =	sld [smem:$0x3FB5]  }
0x2c: {  	s7 =	sld [smem:$0x3FB6]  }
0x2d: {  	s3 =	simm.s32 $0x108;
	s8 =	sld [smem:$0x3FB7]  }
0x2e: {  	s3 =	simm.s32 @!p0 $0x1082;
	s9 =	sld [smem:$0x3FB8]  }
0x2f: {  	lr =	sadd.s32 s0, s3;
	s0 =	sld [smem:$0x3FAF]  }
0x30: {  	s3 =	sld [smem:$0x3FB2]  }
0x31: {  	[smem:$0x3FBB] =	sst s10  }
0x32: {  	s10 =	sld [smem:$0x3FB9];
	_ =	sdelay $0x3  }
0x33: {  	p0 =	seq.s32 s10, $0x1;
	s10 =	sld [smem:$0x3FBB];
	_ =	sdelay $0x3  }
0x34: {  	[smem:$0x3FBB] =	sst s10  }
0x35: {  	s10 =	sld [smem:$0x3FBA];
	_ =	sdelay $0x3  }
0x36: {  	p1 =	seq.s32 s10, $0x1;
	s10 =	sld [smem:$0x3FBB];
	_ =	sdelay $0x3  }
0x37: {  	[smem:$0x3FBB] =	sst s10  }
0x38: {  	s10 =	sld [smem:$0x3FBC]  }
0x39: {  	_ = 	snop;
	(pc) =	sbr.ind lr, $3  }
0x3a: {  	_ = 	snop  }
0x3b: {  	_ = 	snop  }
0x3c: {  	p2 =	seq.s32 s10, $0x1;
	s10 =	sld [smem:$0x3FBB]  }
0x3d: {  	_ =	shalt  }
0x3e: {  	_ =	shalt  }
0x3f: {  	_ =	shalt  }
0x40: {  	_ =	shalt  }
0x41: {  	_ =	shalt  }
0x42: {  	_ =	shalt  }
0x43: {  	_ =	shalt  }
0x44: {  	_ =	shalt  }
0x45: {  	_ =	shalt  }
0x46: {  	_ =	shalt  }
0x47: {  	_ =	shalt  }
0x48: {  	_ =	shalt  }
0x49: {  	_ =	shalt  }
0x4a: {  	_ =	shalt  }
0x4b: {  	_ =	shalt  }
0x4c: {  	_ =	shalt  }
0x4d: {  	_ =	shalt  }
0x4e: {  	_ =	shalt  }
0x4f: {  	_ =	shalt  }
0x50: {  	_ =	shalt  }
0x51: {  	_ =	shalt  }
0x52: {  	_ =	shalt  }
0x53: {  	_ =	shalt  }
0x54: {  	_ =	shalt  }
0x55: {  	_ =	shalt  }
0x56: {  	_ =	shalt  }
0x57: {  	_ =	shalt  }
0x58: {  	_ =	shalt  }
0x59: {  	_ =	shalt  }
0x5a: {  	_ =	shalt  }
0x5b: {  	_ =	shalt  }
0x5c: {  	_ =	shalt  }
0x5d: {  	_ =	shalt  }
0x5e: {  	_ =	shalt  }
0x5f: {  	_ =	shalt  }
0x60: {  	_ =	shalt  }
0x61: {  	_ =	shalt  }
0x62: {  	_ =	shalt  }
0x63: {  	_ =	shalt  }
0x64: {  	_ =	shalt  }
0x65: {  	_ =	shalt  }
0x66: {  	_ =	shalt  }
0x67: {  	_ =	shalt  }
0x68: {  	_ =	shalt  }
0x69: {  	_ =	shalt  }
0x6a: {  	_ =	shalt  }
0x6b: {  	_ =	shalt  }
0x6c: {  	_ =	shalt  }
0x6d: {  	_ =	shalt  }
0x6e: {  	_ =	shalt  }
0x6f: {  	_ =	shalt  }
0x70: {  	_ =	shalt  }
0x71: {  	_ =	shalt  }
0x72: {  	_ =	shalt  }
0x73: {  	_ =	shalt  }
0x74: {  	_ =	shalt  }
0x75: {  	_ =	shalt  }
0x76: {  	_ =	shalt  }
0x77: {  	_ =	shalt  }
0x78: {  	_ =	shalt  }
0x79: {  	_ =	shalt  }
0x7a: {  	_ =	shalt  }
0x7b: {  	_ =	shalt  }
0x7c: {  	_ =	shalt  }
0x7d: {  	_ =	shalt  }
0x7e: {  	_ =	shalt  }
0x7f: {  	_ =	shalt  }
0x80: {  	_ =	shalt  }
0x81: {  	_ =	shalt  }
0x82: {  	_ =	shalt  }
0x83: {  	_ =	shalt  }
0x84: {  	_ =	shalt  }
0x85: {  	_ =	shalt  }
0x86: {  	_ =	shalt  }
0x87: {  	_ =	shalt  }
.Lfunc_end0:
.L_simem_size_0:
called_computation.1_lowered:
.L_overlay_start_0:
0x88: {  	s2 =	sld [smem:$0x3FD9]  }
0x89: {  	s3 =	sld [smem:$0x3FFE];
	_ =	sdelay $0x1  }
0x8a: {  	s1 =	srdreg.scid  }
0x8b: {  	s0 =	sand.u32 $0x1, s1  }
0x8c: {  	s17 =	sshll.u32 s0, $0xA;
	s2 =	sadd.s32 s3, s2  }
0x8d: {  	s2 =	sadd.s32 s2, s17  }
0x8e: {  	[smem:$0x3FC7] =	sst s2  }
0x8f: {  	_ = 	snop  }
0x90: {  	s2 =	sld [smem:$0x3FD0];
	(tm) =	ssettm $0x1  }
0x91: {  	s18 =	sld [smem:$0x3FFB];
	_ =	sdelay $0x3  }
0x92: {  	_ =	strace s18  }
0x93: {  	s3 =	sld [smem:$0x3FFC];
	_ =	sdelay $0x3  }
0x94: {  	_ =	strace s3  }
0x95: {  	s3 =	sld [smem:$0x3FFD];
	_ =	sdelay $0x3  }
0x96: {  	_ =	strace s3  }
0x97: {  	_ =	strace $0x8FFFFFFF  }
0x98: {  	s19 =	sld [smem:$0x3FDB];
	_ =	sdelay $0x1  }
0x99: {  	s4 =	simm.s32 $_scs_section_size  }
0x9a: {  	s5 =	simm.s32 $_size__tile_overlayer_lowered;
	s6 =	simm.s32 $_tile_overlayer_lowered  }
0x9b: {  	s22 =	simm.s32 $0x1BFF;
	s21 =	sshll.u32 s6, $0x1;
	s3 =	sadd.s32 s4, s19  }
0x9c: {  	s7 =	simm.s32 $0x0;
	s20 =	sshll.u32 s5, $0x1;
	s5 =	sadd.s32 s21, s3  }
0x9d: {  	[timem:s7], [sflag:s22] =	dma.local [hbm:s5], s20  }
0x9e: {  	_ =	swait.ge [sflag:s22], s20  }
0x9f: {  	s4 =	ssub.s32 $0x0, s20;
	[sflag:s22] =	ssyncset.done $0x0  }
0xa0: {  	[sflag:s22] =	ssyncadd.s32 s4;
	_ =	sdelay $0x1  }
0xa1: {  	s23 =	simm.s32 $0x1B8B  }
0xa2: {  	_ =	swait.ge [sflag:s23], $0x1  }
0xa3: {  	[sflag:s23] =	ssyncset.done $0x0  }
0xa4: {  	s25 =	simm.s32 $0x1B8E;
	s24 =	sld [smem:$0x3FFE];
	[sflag:s23] =	ssyncadd.s32 $0xFFFFFFFF  }
0xa5: {  	s26 =	simm.s32 $execute0_lowered;
	[smem:$0x3FD2] =	sst s25  }
0xa6: {  	s5 =	sshll.u32 s26, $0x1;
	_ =	strace $0x80000046;
	[dreg:$0x1] =	wrdreg $0xFFFFFFFF  }
0xa7: {  	s28 =	simm.s32 $_size_execute0_lowered;
	s3 =	sadd.s32 s3, s5;
	[dreg:$0x0] =	wrdreg $0x0  }
0xa8: {  	s5 =	sshll.u32 s28, $0x1;
	[dreg:$0x2] =	wrdreg s3  }
0xa9: {  	[dreg:$0x3] =	wrdreg s5  }
0xaa: {  	[dreg:$0x4] =	wrdreg $0xC0  }
0xab: {  	_ =	task [dreg:s7], $0x5FFFF  }
0xac: {  	[dreg:$0x1] =	wrdreg $0xFFFFFFFF  }
0xad: {  	[dreg:$0x0] =	wrdreg $0x60  }
0xae: {  	[dreg:$0x2] =	wrdreg s2  }
0xaf: {  	[dreg:$0x3] =	wrdreg s24  }
0xb0: {  	[dreg:$0x4] =	wrdreg $0x9  }
0xb1: {  	_ =	task.clear_ibuf [dreg:s7], $0x5FFFF;
	_ =	strace $0x90000046  }
0xb2: {  	s29 =	simm.s32 $0x9;
	_ =	strace $0x80000048  }
0xb3: {  	_ =	swait.ge [sflag:s29], $0x1  }
0xb4: {  	[sflag:s29] =	ssyncadd.s32 $0xFFFFFFFF  }
0xb5: {  	_ =	strace $0x90000048  }
0xb6: {  	_ =	sfence  }
0xb7: {  	s30 =	sld [smem:$0x0];
	_ =	sdelay $0x2  }
0xb8: {  	s31 =	sshll.u32 s1, $0xD;
	s1 =	sshrl.u32 s1, $0x2  }
0xb9: {  	s3 =	sand.u32 $0x4000, s31;
	s1 =	sadd.s32 s1, s30  }
0xba: {  	s0 =	sor.u32 s3, s0;
	s1 =	sshll.u32 s1, $0x11  }
0xbb: {  	s0 =	sor.u32 s1, s0  }
0xbc: {  	s0 =	sadd.s32 $0x8F2B, s0  }
0xbd: {  	[sflag:s0] =	ssyncadd.remote.s32 $0x1  }
0xbe: {  	_ =	sfence.sel $0xFFFF  }
0xbf: {  	[dreg:$0x0] =	wrdreg $0xFFFFFFFF;
	(pc) =	sbr.abs _section_cstart, $3  }
0xc0: {  	[dreg:$0x1] =	wrdreg $0xFFFFFFFF  }
0xc1: {  	_ =	task.clear_ibuf [dreg:s7], $0x2FFFF;
	_ =	strace $0x9FFFFFFF  }
0xc2: {  	(tm) =	ssettm $0x7FFFFFFF  }
0xc3: {  	_ =	shalt  }
tec
execute0_lowered:
.L_overlay_start_1:
0x0: {  	(tag) =	ssettag $0x1  }
0x1: {  	s1 =	rddreg [dreg:$0x0]  }
0x2: {  	s0 =	rddreg [dreg:$0x1]  }
0x3: {  	s2 =	simm.s32 $0x0;
	s3 =	srdreg.scid;
	s5 =	stileid.u32  }
0x4: {  	s9 =	simm.s32 $0x100;
	s10 =	simm.s32 $0x18A00;
	s11 =	simm.s32 $0x1  }
0x5: {  	s12 =	simm.s32 $0x18E80;
	s13 =	simm.s32 $0x18C80;
	s14 =	simm.s32 $0x18F00  }
0x6: {  	s15 =	simm.s32 $0x18D80;
	s16 =	simm.s32 $0x18F80;
	s17 =	simm.s32 $0x18B80  }
0x7: {  	v0 =	vlaneseq.u32;
	v1 =	vimm.f32 $-2.000000000e+00;
	v2 =	vimm.s32 $0x0;
	s18 =	simm.s32 $0x20;
	s19 =	simm.s32 $0x19080;
	s20 =	simm.s32 $0x19000  }
.Ltmp0:
0x8: {  	s21 =	simm.s32 $0x2;
	s3 =	sand.u32 $0x1, s3;
	v3 =	vor.u32 $0x10, v0;
	v4 =	vor.u32 $0x20, v0;
	v5 =	vor.u32 $0x30, v0;
	(pc) =	sbr.rel .LBB2_1-.Ltmp0, $4  }
0x9: {  	[smem:$0x7FF] =	sst s2;
	s4 =	sadd.s32 $0xA00, s0;
	v6 =	vor.u32 $0x40, v0;
	v7 =	vor.u32 $0x50, v0;
	v8 =	vor.u32 $0x60, v0;
	s6 =	ssub.s32 $0x2, s3  }
0xa: {  	s8 =	sshll.u32 s5, $0x3;
	s5 =	sadd.s32 $0x30EA00, s0;
	v9 =	vor.u32 $0x70, v0;
	v10 =	vor.u32 $0x80, v0;
	v11 =	vor.u32 $0x90, v0;
	s7 =	sshrl.u32 s6, $0x1  }
0xb: {  	v12 =	vor.u32 $0xA0, v0;
	v13 =	vor.u32 $0xB0, v0;
	v14 =	vor.u32 $0xC0, v0;
	_ =	strace $0x80000047;
	s3 =	sshll.u32 s3, $0x2;
	s31 =	ssub.s32 s6, s7  }
0xc: {  	v15 =	vor.u32 $0xD0, v0;
	v16 =	vor.u32 $0xE0, v0;
	v17 =	vor.u32 $0xF0, v0;
	s6 =	sor.u32 s3, s8;
	s8 =	simm.s32 $0x3;
	s7 =	smax.u32 s31, $0x1  }
.LBB2_33:
0xd: {  	s2 =	sadd.s32 $0x1, s2  }
0xe: {  	p0 =	sne.s32 s2, s7  }
.Ltmp1:
0xf: {  	_ = 	snop;
	(pc) =	sbr.rel @!p0 .LBB2_34-.Ltmp1, $1  }
0x10: {  	_ =	sdelay $0x3  }
.LBB2_1:
0x11: {  	s22 =	simm.s32 $0x0  }
.LBB2_2:
0x12: {  	s23 =	sadd.s32 s6, s22  }
0x13: {  	s0 =	sshll.u32 s23, $0x5  }
0x14: {  	s24 =	simm.s32 $0x0;
	s0 =	sadd.s32 s4, s0  }
0x15: {  	[tilespmem:s24], [sflag:$0x3] =	stream.linear.gather [hbm4b:s0+s24], $0x100, $0x38;
	[tilespmem:$0x19100] =	vst v63  }
0x16: {  	_ =	swait.ge [sflag:s8], $0x100  }
0x17: {  	[sflag:s8] =	ssyncset.done $0x0  }
0x18: {  	[sflag:s8] =	ssyncadd.s32 $0xFFFFFF00  }
0x19: {  	v18 =	vld [tilespmem:$0x0]  }
0x1a: {  	v19 =	vld [tilespmem:$0x10]  }
0x1b: {  	v20 =	vld [tilespmem:$0x20]  }
0x1c: {  	v21 =	vld [tilespmem:$0x30]  }
0x1d: {  	v22 =	vld [tilespmem:$0x40]  }
0x1e: {  	[tilespmem:$0x100] =	vst v18;
	v18 =	vld [tilespmem:$0x50]  }
0x1f: {  	v58 =	vld [tilespmem:$0x70];
	[tilespmem:$0x110] =	vst v19  }
0x20: {  	v59 =	vld [tilespmem:$0x80];
	[tilespmem:$0x120] =	vst v20  }
0x21: {  	v60 =	vld [tilespmem:$0x90];
	[tilespmem:$0x130] =	vst v21  }
0x22: {  	v19 =	vld [tilespmem:$0x60];
	[tilespmem:$0x140] =	vst v22  }
0x23: {  	[tilespmem:$0x150] =	vst v18;
	v18 =	vld [tilespmem:$0xA0]  }
0x24: {  	v61 =	vld [tilespmem:$0xC0];
	[tilespmem:$0x170] =	vst v58  }
0x25: {  	v62 =	vld [tilespmem:$0xD0];
	[tilespmem:$0x180] =	vst v59  }
0x26: {  	v63 =	vld [tilespmem:$0xE0];
	[tilespmem:$0x190] =	vst v60  }
0x27: {  	[tilespmem:$0x160] =	vst v19;
	v19 =	vld [tilespmem:$0xB0]  }
0x28: {  	[tilespmem:$0x1A0] =	vst v18;
	v18 =	vld [tilespmem:$0xF0]  }
0x29: {  	[tilespmem:$0x1C0] =	vst v61  }
0x2a: {  	[tilespmem:$0x1D0] =	vst v62  }
0x2b: {  	[tilespmem:$0x1E0] =	vst v63  }
0x2c: {  	[tilespmem:$0x1B0] =	vst v19  }
0x2d: {  	s25 =	simm.s32 $0x0;
	[tilespmem:$0x1F0] =	vst v18  }
.LBB2_3:
0x2e: {  	v18 =	vld [tilespmem:$0x100]  }
0x2f: {  	v19 =	vld [tilespmem:$0x110]  }
0x30: {  	v20 =	vld [tilespmem:$0x120]  }
0x31: {  	v21 =	vld [tilespmem:$0x130]  }
0x32: {  	v22 =	vld [tilespmem:$0x140]  }
0x33: {  	v23 =	vld [tilespmem:$0x150];
	v18 =	vmax.f32 v18, $-2.000000000e+00  }
0x34: {  	v18 =	vmax.f32 v18, v19;
	v19 =	vld [tilespmem:$0x160]  }
0x35: {  	v18 =	vmax.f32 v18, v20;
	v20 =	vld [tilespmem:$0x170]  }
0x36: {  	v18 =	vmax.f32 v18, v21;
	v21 =	vld [tilespmem:$0x180]  }
0x37: {  	v18 =	vmax.f32 v18, v22;
	v22 =	vld [tilespmem:$0x190]  }
0x38: {  	v18 =	vmax.f32 v18, v23;
	v23 =	vld [tilespmem:$0x1A0]  }
0x39: {  	v18 =	vmax.f32 v18, v19;
	v19 =	vld [tilespmem:$0x1B0]  }
0x3a: {  	v18 =	vmax.f32 v18, v20;
	v20 =	vld [tilespmem:$0x1C0]  }
0x3b: {  	v18 =	vmax.f32 v18, v21;
	v21 =	vld [tilespmem:$0x1D0]  }
0x3c: {  	v18 =	vmax.f32 v18, v22;
	v22 =	vld [tilespmem:$0x1E0]  }
0x3d: {  	v18 =	vmax.f32 v18, v23;
	v23 =	vld [tilespmem:$0x1F0]  }
0x3e: {  	v18 =	vmax.f32 v18, v19  }
0x3f: {  	v18 =	vmax.f32 v18, v20  }
0x40: {  	v18 =	vmax.f32 v18, v21  }
0x41: {  	v18 =	vmax.f32 v18, v22  }
0x42: {  	v18 =	vmax.f32 v18, v23  }
0x43: {  	(xrf0) =	vmax.scan.msk.f32 $0xffff, v18;
	_ =	sdelay $0x2  }
0x44: {  	s0 =	simm.s32 $0x100  }
0x45: {  	v21 =	vld [tilespmem:s0+$0x0];
	_ =	sdelay $0x1  }
0x46: {  	v19, _, _ =	vpop (xrf0)  }
0x47: {  	v18 =	vbroadcast v19, $0xF;
	_ =	sdelay $0x1  }
0x48: {  	s26 =	simm.s32 $0x10;
	v20 =	vimm.s32 $0x100;
	s0 =	simm.s32 $0x110;
	vm0 =	veq.f32 v21, v18;
	v21 =	vor.u32 s24, v0  }
.LBB2_4:
0x49: {  	v22 =	vld [tilespmem:s0+$0x0];
	p0 =	sne.s32 s26, $0xF0;
	v21 =	vnsel vm0, $0x100, v21;
	s3 =	smov.u32 s26;
	s26 =	sadd.s32 $0x10, s26  }
.Ltmp2:
0x4a: {  	vm0 =	vlt.s32 v20, v21;
	(pc) =	sbr.rel @p0 .LBB2_4-.Ltmp2, $2  }
0x4b: {  	v20 =	vsel vm0, v20, v21;
	_ =	sdelay $0x2  }
0x4c: {  	s0 =	sadd.s32 $0x10, s0;
	v21 =	vor.u32 s3, v0;
	vm0 =	veq.f32 v22, v18  }
0x4d: {  	v21 =	vnsel vm0, $0x100, v21  }
0x4e: {  	vm0 =	vlt.s32 v20, v21  }
0x4f: {  	v20 =	vsel vm0, v20, v21  }
0x50: {  	v20 =	vxor.u32 $0x80000000, v20  }
0x51: {  	(xrf0) =	vmin.scan.msk.u32 $0xffff, v20;
	_ =	sdelay $0x5  }
0x52: {  	(v2sf) =	vpush v19, $0xF;
	v19, _, _ =	vpop (xrf0)  }
0x53: {  	(v2sf) =	vpush v19, $0xF;
	_ =	sdelay $0xd  }
0x54: {  	s0 =	spop (v2sf)  }
0x55: {  	s3 =	spop (v2sf)  }
0x56: {  	s25 =	sadd.s32 $0x1, s25;
	s3 =	sxor.u32 $0x80000000, s3  }
0x57: {  	p0 =	sne.s32 s25, $0x20;
	v19 =	vmov s3  }
.Ltmp3:
0x58: {  	_ = 	snop;
	(pc) =	sbr.rel @p0 .LBB2_3-.Ltmp3, $2  }
0x59: {  	_ =	sdelay $0x2  }
0x5a: {  	[smem:$0x81] =	sst s0;
	[tilespmem:v19+s9+$0x0] =	vst.idx.msk $0x1, v1  }
0x5b: {  	v19 =	vld [tilespmem:$0x0];
	_ =	sdelay $0x4  }
0x5c: {  	vm0 =	vge.f32 v19, v18  }
0x5d: {  	[tilespmem:s10+$0x0] =	vst.msk vm0, v0  }
0x5e: {  	v19 =	vsel vm0, $0x1, v2;
	v20 =	vld [tilespmem:$0x10]  }
0x5f: {  	(xrf0) =	vadd.scan.msk.s32 $0xffff, v19;
	_ =	sdelay $0x1  }
0x60: {  	vm13 =	vgt.f32 v18, $0.0e+00;
	v19 =	vadd.s32 $0xFFFFFFFF, v18  }
0x61: {  	v19 =	vnsel vm13, $0xBF800000, v19  }
0x62: {  	vm1 =	vge.f32 v20, v18  }
0x63: {  	v20 =	vsel vm1, $0x1, v2  }
0x64: {  	(v2sf) =	vpush v19, $0x0;
	v19, _, _ =	vpop (xrf0);
	(xrf0) =	vadd.scan.msk.s32 $0xffff, v20  }
0x65: {  	(v2sf) =	vpush v19, $0xF;
	_ =	sdelay $0x4  }
0x66: {  	v19, _, _ =	vpop (xrf0)  }
0x67: {  	(v2sf) =	vpush v19, $0xF;
	_ =	sdelay $0x7  }
0x68: {  	s24 =	spop (v2sf)  }
0x69: {  	s0 =	spop (v2sf)  }
0x6a: {  	[tilespmem:s0+$0x18A00] =	vst.msk vm1, v3  }
0x6b: {  	v19 =	vld [tilespmem:$0x20];
	_ =	sdelay $0x3  }
0x6c: {  	s3 =	spop (v2sf)  }
0x6d: {  	vm14 =	vge.f32 v19, v18;
	s0 =	sadd.s32 s0, s3  }
0x6e: {  	v19 =	vsel vm14, $0x1, v2;
	[tilespmem:s0+$0x18A00] =	vst.msk vm14, v4  }
0x6f: {  	(xrf0) =	vadd.scan.msk.s32 $0xffff, v19;
	v19 =	vld [tilespmem:$0x30];
	_ =	sdelay $0x4  }
0x70: {  	vm15 =	vge.f32 v19, v18  }
0x71: {  	v19, _, _ =	vpop (xrf0);
	v57 =	vsel vm15, $0x1, v2  }
0x72: {  	(v2sf) =	vpush v19, $0xF;
	(xrf0) =	vadd.scan.msk.s32 $0xffff, v57;
	_ =	sdelay $0x5  }
0x73: {  	v19, _, _ =	vpop (xrf0)  }
0x74: {  	(v2sf) =	vpush v19, $0xF;
	_ =	sdelay $0x7  }
0x75: {  	s30 =	spop (v2sf)  }
0x76: {  	s0 =	sadd.s32 s0, s30  }
0x77: {  	[tilespmem:s0+$0x18A00] =	vst.msk vm15, v5  }
0x78: {  	v19 =	vld [tilespmem:$0x40];
	_ =	sdelay $0x3  }
0x79: {  	s31 =	spop (v2sf)  }
0x7a: {  	vm4 =	vge.f32 v19, v18;
	s0 =	sadd.s32 s0, s31  }
0x7b: {  	v19 =	vsel vm4, $0x1, v2;
	[tilespmem:s0+$0x18A00] =	vst.msk vm4, v6  }
0x7c: {  	(xrf0) =	vadd.scan.msk.s32 $0xffff, v19;
	v19 =	vld [tilespmem:$0x50];
	_ =	sdelay $0x4  }
0x7d: {  	vm5 =	vge.f32 v19, v18  }
0x7e: {  	v19, _, _ =	vpop (xrf0);
	v58 =	vsel vm5, $0x1, v2  }
0x7f: {  	(v2sf) =	vpush v19, $0xF;
	(xrf0) =	vadd.scan.msk.s32 $0xffff, v58;
	_ =	sdelay $0x5  }
0x80: {  	v19, _, _ =	vpop (xrf0)  }
0x81: {  	(v2sf) =	vpush v19, $0xF;
	_ =	sdelay $0x7  }
0x82: {  	s25 =	spop (v2sf)  }
0x83: {  	s0 =	sadd.s32 s0, s25  }
0x84: {  	[tilespmem:s0+$0x18A00] =	vst.msk vm5, v7  }
0x85: {  	v19 =	vld [tilespmem:$0x60];
	_ =	sdelay $0x3  }
0x86: {  	s26 =	spop (v2sf)  }
0x87: {  	vm6 =	vge.f32 v19, v18;
	s0 =	sadd.s32 s0, s26  }
0x88: {  	v19 =	vsel vm6, $0x1, v2;
	[tilespmem:s0+$0x18A00] =	vst.msk vm6, v8  }
0x89: {  	(xrf0) =	vadd.scan.msk.s32 $0xffff, v19;
	v19 =	vld [tilespmem:$0x70];
	_ =	sdelay $0x4  }
0x8a: {  	vm7 =	vge.f32 v19, v18  }
0x8b: {  	v19, _, _ =	vpop (xrf0);
	v59 =	vsel vm7, $0x1, v2  }
0x8c: {  	(v2sf) =	vpush v19, $0xF;
	(xrf0) =	vadd.scan.msk.s32 $0xffff, v59;
	_ =	sdelay $0x5  }
0x8d: {  	v19, _, _ =	vpop (xrf0)  }
0x8e: {  	(v2sf) =	vpush v19, $0xF;
	_ =	sdelay $0x7  }
0x8f: {  	s28 =	spop (v2sf)  }
0x90: {  	s0 =	sadd.s32 s0, s28  }
0x91: {  	[tilespmem:s0+$0x18A00] =	vst.msk vm7, v9  }
0x92: {  	v19 =	vld [tilespmem:$0x80];
	_ =	sdelay $0x3  }
0x93: {  	s29 =	spop (v2sf)  }
0x94: {  	vm8 =	vge.f32 v19, v18;
	s0 =	sadd.s32 s0, s29  }
0x95: {  	v19 =	vsel vm8, $0x1, v2;
	[tilespmem:s0+$0x18A00] =	vst.msk vm8, v10  }
0x96: {  	(xrf0) =	vadd.scan.msk.s32 $0xffff, v19;
	v19 =	vld [tilespmem:$0x90];
	_ =	sdelay $0x4  }
0x97: {  	vm9 =	vge.f32 v19, v18  }
0x98: {  	v19, _, _ =	vpop (xrf0);
	v60 =	vsel vm9, $0x1, v2  }
0x99: {  	(v2sf) =	vpush v19, $0xF;
	(xrf0) =	vadd.scan.msk.s32 $0xffff, v60;
	_ =	sdelay $0x5  }
0x9a: {  	v19, _, _ =	vpop (xrf0)  }
0x9b: {  	(v2sf) =	vpush v19, $0xF;
	_ =	sdelay $0x7  }
0x9c: {  	s30 =	spop (v2sf)  }
0x9d: {  	s0 =	sadd.s32 s0, s30  }
0x9e: {  	[tilespmem:s0+$0x18A00] =	vst.msk vm9, v11  }
0x9f: {  	v19 =	vld [tilespmem:$0xA0];
	_ =	sdelay $0x3  }
0xa0: {  	s31 =	spop (v2sf)  }
0xa1: {  	vm10 =	vge.f32 v19, v18;
	s0 =	sadd.s32 s0, s31  }
0xa2: {  	v19 =	vsel vm10, $0x1, v2;
	[tilespmem:s0+$0x18A00] =	vst.msk vm10, v12  }
0xa3: {  	(xrf0) =	vadd.scan.msk.s32 $0xffff, v19;
	v19 =	vld [tilespmem:$0xB0];
	_ =	sdelay $0x4  }
0xa4: {  	vm11 =	vge.f32 v19, v18  }
0xa5: {  	v19, _, _ =	vpop (xrf0);
	v61 =	vsel vm11, $0x1, v2  }
0xa6: {  	(v2sf) =	vpush v19, $0xF;
	(xrf0) =	vadd.scan.msk.s32 $0xffff, v61;
	_ =	sdelay $0x5  }
0xa7: {  	v19, _, _ =	vpop (xrf0)  }
0xa8: {  	(v2sf) =	vpush v19, $0xF;
	_ =	sdelay $0x7  }
0xa9: {  	s25 =	spop (v2sf)  }
0xaa: {  	s0 =	sadd.s32 s0, s25  }
0xab: {  	[tilespmem:s0+$0x18A00] =	vst.msk vm11, v13  }
0xac: {  	v19 =	vld [tilespmem:$0xC0];
	_ =	sdelay $0x3  }
0xad: {  	s26 =	spop (v2sf)  }
0xae: {  	vm12 =	vge.f32 v19, v18;
	s0 =	sadd.s32 s0, s26  }
0xaf: {  	v19 =	vsel vm12, $0x1, v2;
	[tilespmem:s0+$0x18A00] =	vst.msk vm12, v14  }
0xb0: {  	(xrf0) =	vadd.scan.msk.s32 $0xffff, v19;
	v19 =	vld [tilespmem:$0xD0];
	_ =	sdelay $0x4  }
0xb1: {  	vm13 =	vge.f32 v19, v18  }
0xb2: {  	v19, _, _ =	vpop (xrf0);
	v62 =	vsel vm13, $0x1, v2  }
0xb3: {  	(v2sf) =	vpush v19, $0xF;
	(xrf0) =	vadd.scan.msk.s32 $0xffff, v62;
	_ =	sdelay $0x5  }
0xb4: {  	v19, _, _ =	vpop (xrf0)  }
0xb5: {  	(v2sf) =	vpush v19, $0xF;
	_ =	sdelay $0x7  }
0xb6: {  	s28 =	spop (v2sf)  }
0xb7: {  	s0 =	sadd.s32 s0, s28  }
0xb8: {  	[tilespmem:s0+$0x18A00] =	vst.msk vm13, v15  }
0xb9: {  	v19 =	vld [tilespmem:$0xE0];
	_ =	sdelay $0x3  }
0xba: {  	s29 =	spop (v2sf)  }
0xbb: {  	vm14 =	vge.f32 v19, v18;
	s0 =	sadd.s32 s0, s29  }
0xbc: {  	[tilespmem:s0+$0x18A00] =	vst.msk vm14, v16  }
0xbd: {  	v19 =	vld [tilespmem:$0xF0];
	_ =	sdelay $0x4  }
0xbe: {  	v63 =	vsel vm14, $0x1, v2;
	vm15 =	vge.f32 v19, v18  }
0xbf: {  	(xrf0) =	vadd.scan.msk.s32 $0xffff, v63;
	v18 =	vsel vm15, $0x1, v2  }
0xc0: {  	(xrf0) =	vadd.scan.msk.s32 $0xffff, v18;
	_ =	sdelay $0x4  }
0xc1: {  	v18, _, _ =	vpop (xrf0)  }
0xc2: {  	(v2sf) =	vpush v18, $0xF;
	v18, _, _ =	vpop (xrf0)  }
0xc3: {  	(v2sf) =	vpush v18, $0xF;
	_ =	sdelay $0xd  }
0xc4: {  	s30 =	spop (v2sf)  }
0xc5: {  	s0 =	sadd.s32 s0, s30;
	s31 =	spop (v2sf)  }
0xc6: {  	[smem:$0x80] =	sst s24;
	s24 =	sadd.s32 s0, s31  }
0xc7: {  	p0 =	slt.s32 s24, $0x1  }
.Ltmp4:
0xc8: {  	_ = 	snop;
	(pc) =	sbr.rel @p0 .LBB2_26-.Ltmp4, $4  }
0xc9: {  	_ = 	snop  }
0xca: {  	s25 =	simm.s32 $0x0  }
0xcb: {  	[smem:$0x0] =	sst s25  }
0xcc: {  	s23 =	smul.u32 $0x186A0, s23;
	s26 =	simm.s32 $0x200;
	[tilespmem:s0+$0x18A00] =	vst.msk vm15, v17;
	[smem:$0x100] =	sst s24  }
0xcd: {  	v18 =	vmov s25;
	_ =	sdelay $0x4  }
0xce: {  	v18 =	vld.idx.msk [tilespmem:v18+s10+$0x0], $0xffff;
	_ =	sdelay $0x4  }
0xcf: {  	(v2sf) =	vpush v18, $0x0;
	_ =	sdelay $0x9  }
0xd0: {  	s0 =	sadd.s32 $0x1, s25  }
0xd1: {  	p1 =	slt.s32 s0, s24  }
.Ltmp5:
0xd2: {  	_ = 	snop;
	(pc) =	sbr.rel @!p1 .LBB2_8-.Ltmp5, $3  }
0xd3: {  	_ =	sdelay $0x1  }
0xd4: {  	s3 =	spop (v2sf)  }
0xd5: {  	p0 =	por $0x0, $0x0;
	p2 =	seq.s32 s3, $0xC3;
	s30 =	sshll.u32 s3, $0x9  }
0xd6: {  	v18 =	vmov s0;
	s30 =	simm.s32 @p2 $0x184A0  }
0xd7: {  	s3 =	sadd.s32 s23, s30  }
0xd8: {  	s3 =	sshrl.u32 s3, $0x3  }
0xd9: {  	s3 =	sadd.s32 s1, s3  }
0xda: {  	[tilespmem:s26], [sflag:$0x1] =	stream.linear.gather [hbm4b:s3+s25], $0x200, $0x38;
	[tilespmem:$0x19100] =	vst v63  }
0xdb: {  	v18 =	vld.idx.msk [tilespmem:v18+s10+$0x0], $0xffff;
	_ =	sdelay $0x4  }
0xdc: {  	(v2sf) =	vpush v18, $0x0;
	_ =	sdelay $0x9  }
0xdd: {  	s29 =	sadd.s32 $0x1, s0  }
0xde: {  	p1 =	slt.s32 s29, s24  }
.Ltmp6:
0xdf: {  	_ = 	snop;
	(pc) =	sbr.rel @!p1 .LBB2_10-.Ltmp6, $3  }
0xe0: {  	_ =	sdelay $0x1  }
0xe1: {  	p0 =	por $0x1, $0x1;
	s31 =	spop (v2sf)  }
0xe2: {  	s28 =	simm.s32 $0x200;
	p2 =	seq.s32 s31, $0xC3;
	s30 =	sshll.u32 s31, $0x9  }
.LBB2_11:
0xe3: {  	v18 =	vmov s29;
	s29 =	sadd.s32 $0x1, s29;
	s30 =	simm.s32 @p2 $0x184A0  }
0xe4: {  	p1 =	slt.s32 s29, s24;
	s0 =	sadd.s32 s23, s30  }
0xe5: {  	s0 =	sshrl.u32 s0, $0x3  }
0xe6: {  	s28 =	sadd.s32 $0x200, s28;
	s0 =	sadd.s32 s1, s0  }
0xe7: {  	[tilespmem:s28], [sflag:$0x1] =	stream.linear.gather [hbm4b:s0+s25], $0x200, $0x38;
	[tilespmem:$0x19100] =	vst v63  }
0xe8: {  	v18 =	vld.idx.msk [tilespmem:v18+s10+$0x0], $0xffff;
	_ =	sdelay $0x5  }
0xe9: {  	(v2sf) =	vpush v18, $0x0;
	_ =	sdelay $0xb  }
.Ltmp7:
0xea: {  	(pc) =	sbr.rel @p1 .LBB2_11-.Ltmp7, $3  }
0xeb: {  	_ =	sdelay $0x1  }
0xec: {  	s0 =	spop (v2sf)  }
0xed: {  	p2 =	seq.s32 s0, $0xC3;
	s30 =	sshll.u32 s0, $0x9  }
.LBB2_12:
0xee: {  	s30 =	simm.s32 @p2 $0x184A0;
	s3 =	sadd.s32 @p0 $0x200, s28  }
0xef: {  	s0 =	sadd.s32 s23, s30;
	s26 =	smov.u32 @p0 s3;
	p0 =	sgt.s32 s24, $0x1  }
.Ltmp8:
0xf0: {  	s0 =	sshrl.u32 s0, $0x3;
	(pc) =	sbr.rel @!p0 .LBB2_14-.Ltmp8, $4  }
0xf1: {  	s0 =	sadd.s32 s1, s0  }
0xf2: {  	[tilespmem:s26], [sflag:$0x1] =	stream.linear.gather [hbm4b:s0+s25], $0x200, $0x38;
	[tilespmem:$0x19100] =	vst v63  }
0xf3: {  	_ =	swait.ge [sflag:s11], $0x200  }
0xf4: {  	s0 =	simm.s32 $0x1;
	[sflag:s11] =	ssyncset.done $0x0  }
.LBB2_13:
0xf5: {  	s0 =	sadd.s32 $0x1, s0  }
0xf6: {  	[sflag:s11] =	ssyncadd.s32 $0xFFFFFE00;
	p0 =	slt.s32 s0, s24  }
.Ltmp9:
0xf7: {  	(pc) =	sbr.rel @p0 .LBB2_13-.Ltmp9, $3  }
0xf8: {  	_ =	sdelay $0x1  }
0xf9: {  	_ =	swait.ge [sflag:s11], $0x200  }
0xfa: {  	[sflag:s11] =	ssyncset.done $0x0  }
.LBB2_14:
.Ltmp10:
0xfb: {  	(pc) =	sbr.rel .LBB2_15-.Ltmp10, $2  }
0xfc: {  	_ =	sdelay $0x2  }
0xfd: {  	[sflag:s11] =	ssyncadd.s32 $0xFFFFFE00;
	s25 =	simm.s32 $0x0  }
.LBB2_25:
0xfe: {  	s25 =	sadd.s32 $0x1, s25  }
0xff: {  	p0 =	slt.s32 s25, s24  }
.Ltmp11:
0x100: {  	_ = 	snop;
	(pc) =	sbr.rel @!p0 .LBB2_26-.Ltmp11, $1  }
0x101: {  	_ =	sdelay $0x3  }
.LBB2_15:
0x102: {  	v18 =	vmov s25;
	_ =	sdelay $0x4  }
0x103: {  	v18 =	vld.idx.msk [tilespmem:v18+s10+$0x0], $0xffff;
	_ =	sdelay $0x4  }
0x104: {  	(v2sf) =	vpush v18, $0x0;
	_ =	sdelay $0xc  }
.Ltmp12:
0x105: {  	_ = 	snop;
	(pc) =	sbr.rel .LBB2_16-.Ltmp12, $4  }
0x106: {  	_ = 	snop  }
0x107: {  	s3 =	sshll.u32 s25, $0xB;
	s0 =	spop (v2sf)  }
0x108: {  	s31 =	sshra.s32 s3, $0x2;
	s26 =	sshll.u32 s0, $0x9;
	p0 =	seq.s32 s0, $0xC3  }
0x109: {  	s29 =	simm.s32 $0x0;
	s28 =	sadd.s32 $0x200, s31;
	v18 =	vmov s26;
	s26 =	simm.s32 @p0 $0x184A0  }
.LBB2_24:
0x10a: {  	s29 =	sadd.s32 $0x1, s29  }
0x10b: {  	p0 =	sne.s32 s29, $0x20  }
.Ltmp13:
0x10c: {  	_ = 	snop;
	(pc) =	sbr.rel @!p0 .LBB2_25-.Ltmp13, $1  }
0x10d: {  	_ =	sdelay $0x3  }
.LBB2_16:
0x10e: {  	s0 =	sshll.u32 s29, $0x4  }
0x10f: {  	s3 =	sand.u32 $0x180, s0  }
0x110: {  	s30 =	sand.u32 $0x70, s0;
	s3 =	sadd.s32 s3, s28  }
0x111: {  	s3 =	sadd.s32 s30, s3  }
0x112: {  	v19 =	vld [tilespmem:s3+$0x0];
	_ =	sdelay $0x2  }
0x113: {  	s31 =	sld [smem:$0x80]  }
0x114: {  	s0 =	sadd.s32 s26, s0  }
0x115: {  	v21 =	vor.u32 s0, v0;
	v20 =	vand.u32 $0x7FFFFFFF, v19  }
0x116: {  	vm1 =	vge.s32 v21, v18;
	vm0 =	vgt.f32 v20, s31  }
0x117: {  	vm0 =	vmand vm1, vm0  }
0x118: {  	v22 =	vsel vm0, $0x1, v2  }
0x119: {  	(xrf0) =	vadd.scan.msk.s32 $0xffff, v22;
	_ =	sdelay $0x5  }
0x11a: {  	v22, _, _ =	vpop (xrf0)  }
0x11b: {  	(v2sf) =	vpush v22, $0xF;
	_ =	sdelay $0xe  }
0x11c: {  	s0 =	spop (v2sf)  }
0x11d: {  	p0 =	slt.s32 s0, $0x1  }
0x11e: {  	s3 =	sld @!p0 [smem:$0x0];
	_ =	sdelay $0x2  }
0x11f: {  	s0 =	sadd.s32 @!p0 s0, s3  }
0x120: {  	p1 =	slt.s32 @!p0 s0, $0x80  }
0x121: {  	p1 =	por p0, p1  }
.Ltmp14:
0x122: {  	_ = 	snop;
	(pc) =	sbr.rel @p1 .LBB2_24-.Ltmp14, $4  }
0x123: {  	_ = 	snop  }
0x124: {  	[tilespmem:s3+$0x18B80] =	vst.msk @!p0 vm0, v20  }
0x125: {  	[tilespmem:s3+$0x18C80] =	vst.msk @!p0 vm0, v19  }
0x126: {  	[smem:$0x0] =	sst @!p0 s0;
	[tilespmem:s3+$0x18D80] =	vst.msk @!p0 vm0, v21  }
0x127: {  	s31 =	simm.s32 $0x18B80  }
0x128: {  	v19 =	vmov s0;
	s30 =	simm.s32 $0x0;
	s0 =	simm.s32 $0x10;
	s3 =	simm.s32 $0x0;
	v20 =	vld [tilespmem:s31+$0x0]  }
.LBB2_18:
0x129: {  	p0 =	sne.s32 s0, $0x90;
	_ =	sdelay $0x1  }
.Ltmp15:
0x12a: {  	v21 =	vor.u32 s3, v0;
	s3 =	smov.u32 s0;
	(pc) =	sbr.rel @p0 .LBB2_18-.Ltmp15, $4  }
0x12b: {  	vm0 =	vlt.s32 v21, v19  }
0x12c: {  	v20 =	vnsel vm0, $0xBF800000, v20  }
0x12d: {  	[tilespmem:s31+$0x0] =	vst v20;
	s31 =	sadd.s32 $0x10, s31  }
0x12e: {  	s0 =	sadd.s32 $0x10, s0;
	v20 =	vld [tilespmem:s31+$0x0]  }
0x12f: {  	_ =	sdelay $0x1  }
0x130: {  	v21 =	vor.u32 s3, v0  }
0x131: {  	vm0 =	vlt.s32 v21, v19  }
0x132: {  	v19 =	vnsel vm0, $0xBF800000, v20  }
0x133: {  	[tilespmem:s31+$0x0] =	vst v19  }
.LBB2_20:
0x134: {  	v19 =	vld [tilespmem:$0x18B80]  }
0x135: {  	v20 =	vld [tilespmem:$0x18B90]  }
0x136: {  	v21 =	vld [tilespmem:$0x18BA0]  }
0x137: {  	v22 =	vld [tilespmem:$0x18BB0]  }
0x138: {  	v23 =	vld [tilespmem:$0x18BC0]  }
0x139: {  	v24 =	vld [tilespmem:$0x18BD0];
	v19 =	vmax.f32 v19, $-2.000000000e+00  }
0x13a: {  	v19 =	vmax.f32 v19, v20;
	v20 =	vld [tilespmem:$0x18BE0]  }
0x13b: {  	v19 =	vmax.f32 v19, v21;
	v21 =	vld [tilespmem:$0x18BF0]  }
0x13c: {  	v19 =	vmax.f32 v19, v22;
	v22 =	vld [tilespmem:$0x18C00]  }
0x13d: {  	v19 =	vmax.f32 v19, v23;
	v23 =	vld [tilespmem:$0x18C10]  }
0x13e: {  	v19 =	vmax.f32 v19, v24  }
0x13f: {  	v19 =	vmax.f32 v19, v20  }
0x140: {  	v19 =	vmax.f32 v19, v21  }
0x141: {  	v19 =	vmax.f32 v19, v22  }
0x142: {  	v19 =	vmax.f32 v19, v23  }
0x143: {  	(xrf0) =	vmax.scan.msk.f32 $0xffff, v19;
	_ =	sdelay $0x2  }
0x144: {  	s0 =	simm.s32 $0x18B80  }
0x145: {  	v21 =	vld [tilespmem:s0+$0x0];
	_ =	sdelay $0x1  }
0x146: {  	v19, _, _ =	vpop (xrf0)  }
0x147: {  	v19 =	vbroadcast v19, $0xF  }
0x148: {  	s3 =	simm.s32 $0x0  }
0x149: {  	s31 =	simm.s32 $0x10;
	v20 =	vimm.s32 $0xA0;
	s0 =	simm.s32 $0x18B90;
	vm0 =	veq.f32 v21, v19;
	v21 =	vor.u32 s3, v0  }
.LBB2_21:
0x14a: {  	v22 =	vld [tilespmem:s0+$0x0];
	p0 =	sne.s32 s31, $0x90;
	v21 =	vnsel vm0, $0xA0, v21;
	s3 =	smov.u32 s31;
	s31 =	sadd.s32 $0x10, s31  }
.Ltmp16:
0x14b: {  	vm0 =	vlt.s32 v20, v21;
	(pc) =	sbr.rel @p0 .LBB2_21-.Ltmp16, $2  }
0x14c: {  	v20 =	vsel vm0, v20, v21;
	_ =	sdelay $0x2  }
0x14d: {  	s0 =	sadd.s32 $0x10, s0;
	v21 =	vor.u32 s3, v0;
	vm0 =	veq.f32 v22, v19  }
0x14e: {  	v21 =	vnsel vm0, $0xA0, v21  }
0x14f: {  	vm0 =	vlt.s32 v20, v21  }
0x150: {  	v20 =	vsel vm0, v20, v21  }
0x151: {  	v20 =	vxor.u32 $0x80000000, v20  }
0x152: {  	(xrf0) =	vmin.scan.msk.u32 $0xffff, v20;
	_ =	sdelay $0x5  }
0x153: {  	v20, _, _ =	vpop (xrf0)  }
0x154: {  	(v2sf) =	vpush v20, $0xF;
	_ =	sdelay $0xe  }
0x155: {  	s0 =	spop (v2sf)  }
0x156: {  	v20 =	vmov s30;
	s0 =	sxor.u32 $0x80000000, s0  }
0x157: {  	v63 =	vmov s0;
	_ =	sdelay $0x3  }
0x158: {  	[tilespmem:v20+s12+$0x0] =	vst.idx.msk $0x1, v19  }
0x159: {  	v19 =	vld.idx.msk [tilespmem:v63+s13+$0x0], $0xffff;
	_ =	sdelay $0x4  }
0x15a: {  	[tilespmem:v20+s14+$0x0] =	vst.idx.msk $0x1, v19  }
0x15b: {  	s30 =	sadd.s32 $0x1, s30;
	v19 =	vld.idx.msk [tilespmem:v63+s15+$0x0], $0xffff  }
0x15c: {  	p0 =	sne.s32 s30, $0x20  }
.Ltmp17:
0x15d: {  	_ = 	snop;
	(pc) =	sbr.rel @p0 .LBB2_20-.Ltmp17, $3  }
0x15e: {  	_ =	sdelay $0x1  }
0x15f: {  	[tilespmem:v20+s16+$0x0] =	vst.idx.msk $0x1, v19  }
0x160: {  	[tilespmem:v63+s17+$0x0] =	vst.idx.msk $0x1, v1  }
0x161: {  	v19 =	vld [tilespmem:$0x18E90];
	_ =	sdelay $0x4  }
0x162: {  	(v2sf) =	vpush v19, $0xF;
	_ =	sdelay $0x6  }
0x163: {  	v19 =	vld [tilespmem:$0x18E80]  }
0x164: {  	v20 =	vld [tilespmem:$0x18F00]  }
0x165: {  	v21 =	vld [tilespmem:$0x18F80]  }
0x166: {  	v22 =	vld [tilespmem:$0x18E90]  }
0x167: {  	v23 =	vld [tilespmem:$0x18F10]  }
0x168: {  	[tilespmem:$0x18B80] =	vst v19;
	v19 =	vld [tilespmem:$0x18F90]  }
.Ltmp18:
0x169: {  	[tilespmem:$0x18C80] =	vst v20;
	(pc) =	sbr.rel .LBB2_24-.Ltmp18, $4  }
0x16a: {  	[tilespmem:$0x18D80] =	vst v21  }
0x16b: {  	[tilespmem:$0x18B90] =	vst v22;
	s0 =	spop (v2sf)  }
0x16c: {  	[tilespmem:$0x18C90] =	vst v23;
	[smem:$0x80] =	sst s0  }
0x16d: {  	[tilespmem:$0x18D90] =	vst v19;
	[smem:$0x0] =	sst s18  }
.LBB2_26:
0x16e: {  	s0 =	sld [smem:$0x0];
	_ =	sdelay $0x1  }
0x16f: {  	s25 =	simm.s32 $0x18B80  }
0x170: {  	s24 =	simm.s32 $0x0;
	s3 =	simm.s32 $0x0;
	v19 =	vld [tilespmem:s25+$0x0];
	v18 =	vmov s0;
	s0 =	simm.s32 $0x10  }
.LBB2_27:
0x171: {  	p0 =	sne.s32 s0, $0x90;
	_ =	sdelay $0x1  }
.Ltmp19:
0x172: {  	v20 =	vor.u32 s3, v0;
	s3 =	smov.u32 s0;
	(pc) =	sbr.rel @p0 .LBB2_27-.Ltmp19, $4  }
0x173: {  	vm0 =	vlt.s32 v20, v18  }
0x174: {  	v19 =	vnsel vm0, $0xBF800000, v19  }
0x175: {  	[tilespmem:s25+$0x0] =	vst v19;
	s25 =	sadd.s32 $0x10, s25  }
0x176: {  	s0 =	sadd.s32 $0x10, s0;
	v19 =	vld [tilespmem:s25+$0x0]  }
0x177: {  	_ =	sdelay $0x1  }
0x178: {  	v20 =	vor.u32 s3, v0  }
0x179: {  	vm0 =	vlt.s32 v20, v18  }
0x17a: {  	v18 =	vnsel vm0, $0xBF800000, v19  }
0x17b: {  	[tilespmem:s25+$0x0] =	vst v18  }
.LBB2_29:
0x17c: {  	v18 =	vld [tilespmem:$0x18B80]  }
0x17d: {  	v19 =	vld [tilespmem:$0x18B90]  }
0x17e: {  	v20 =	vld [tilespmem:$0x18BA0]  }
0x17f: {  	v21 =	vld [tilespmem:$0x18BB0]  }
0x180: {  	v22 =	vld [tilespmem:$0x18BC0]  }
0x181: {  	v23 =	vld [tilespmem:$0x18BD0];
	v18 =	vmax.f32 v18, $-2.000000000e+00  }
0x182: {  	v18 =	vmax.f32 v18, v19;
	v19 =	vld [tilespmem:$0x18BE0]  }
0x183: {  	v18 =	vmax.f32 v18, v20;
	v20 =	vld [tilespmem:$0x18BF0]  }
0x184: {  	v18 =	vmax.f32 v18, v21;
	v21 =	vld [tilespmem:$0x18C00]  }
0x185: {  	v18 =	vmax.f32 v18, v22;
	v22 =	vld [tilespmem:$0x18C10]  }
0x186: {  	v18 =	vmax.f32 v18, v23  }
0x187: {  	v18 =	vmax.f32 v18, v19  }
0x188: {  	v18 =	vmax.f32 v18, v20  }
0x189: {  	v18 =	vmax.f32 v18, v21  }
0x18a: {  	v18 =	vmax.f32 v18, v22  }
0x18b: {  	(xrf0) =	vmax.scan.msk.f32 $0xffff, v18;
	_ =	sdelay $0x2  }
0x18c: {  	s0 =	simm.s32 $0x18B80  }
0x18d: {  	v20 =	vld [tilespmem:s0+$0x0];
	_ =	sdelay $0x1  }
0x18e: {  	v18, _, _ =	vpop (xrf0)  }
0x18f: {  	v18 =	vbroadcast v18, $0xF  }
0x190: {  	s31 =	simm.s32 $0x0  }
0x191: {  	s25 =	simm.s32 $0x10;
	v19 =	vimm.s32 $0xA0;
	s0 =	simm.s32 $0x18B90;
	vm0 =	veq.f32 v20, v18;
	v20 =	vor.u32 s31, v0  }
.LBB2_30:
0x192: {  	v21 =	vld [tilespmem:s0+$0x0];
	p0 =	sne.s32 s25, $0x90;
	v20 =	vnsel vm0, $0xA0, v20;
	s3 =	smov.u32 s25;
	s25 =	sadd.s32 $0x10, s25  }
.Ltmp20:
0x193: {  	vm0 =	vlt.s32 v19, v20;
	(pc) =	sbr.rel @p0 .LBB2_30-.Ltmp20, $2  }
0x194: {  	v19 =	vsel vm0, v19, v20;
	_ =	sdelay $0x2  }
0x195: {  	s0 =	sadd.s32 $0x10, s0;
	v20 =	vor.u32 s3, v0;
	vm0 =	veq.f32 v21, v18  }
0x196: {  	v20 =	vnsel vm0, $0xA0, v20  }
0x197: {  	vm0 =	vlt.s32 v19, v20  }
0x198: {  	v19 =	vsel vm0, v19, v20  }
0x199: {  	v19 =	vxor.u32 $0x80000000, v19  }
0x19a: {  	(xrf0) =	vmin.scan.msk.u32 $0xffff, v19;
	_ =	sdelay $0x5  }
0x19b: {  	v19, _, _ =	vpop (xrf0)  }
0x19c: {  	(v2sf) =	vpush v19, $0xF;
	_ =	sdelay $0xe  }
0x19d: {  	s0 =	spop (v2sf)  }
0x19e: {  	v19 =	vmov s24;
	s0 =	sxor.u32 $0x80000000, s0  }
0x19f: {  	v63 =	vmov s0;
	_ =	sdelay $0x3  }
0x1a0: {  	[tilespmem:v19+s12+$0x0] =	vst.idx.msk $0x1, v18  }
0x1a1: {  	v18 =	vld.idx.msk [tilespmem:v63+s13+$0x0], $0xffff;
	_ =	sdelay $0x4  }
0x1a2: {  	[tilespmem:v19+s14+$0x0] =	vst.idx.msk $0x1, v18  }
0x1a3: {  	s24 =	sadd.s32 $0x1, s24;
	v18 =	vld.idx.msk [tilespmem:v63+s15+$0x0], $0xffff  }
0x1a4: {  	p0 =	sne.s32 s24, $0x20  }
.Ltmp21:
0x1a5: {  	_ = 	snop;
	(pc) =	sbr.rel @p0 .LBB2_29-.Ltmp21, $3  }
0x1a6: {  	_ =	sdelay $0x1  }
0x1a7: {  	[tilespmem:v19+s16+$0x0] =	vst.idx.msk $0x1, v18  }
0x1a8: {  	[tilespmem:v63+s17+$0x0] =	vst.idx.msk $0x1, v1  }
0x1a9: {  	v18 =	vld [tilespmem:$0x18F00];
	_ =	sdelay $0x4  }
0x1aa: {  	v18 =	vsub.f32 $0.0e+00, v18;
	_ =	sdelay $0x1  }
0x1ab: {  	v18 =	vmul.f32 $1.442695020e+00, v18;
	_ =	sdelay $0x1  }
0x1ac: {  	(erf) = vpow2.f32 v18;
	_ =	sdelay $0x3  }
0x1ad: {  	v18 =	vld [tilespmem:$0x18F10];
	_ =	sdelay $0x4  }
0x1ae: {  	v18 =	vsub.f32 $0.0e+00, v18;
	v19 =	vpop (erf)  }
0x1af: {  	v19 =	vadd.f32 $1.000000000e+00, v19  }
0x1b0: {  	v18 =	vmul.f32 $1.442695020e+00, v18  }
0x1b1: {  	(erf) = vrcp.f32 v19  }
0x1b2: {  	(erf) = vpow2.f32 v18;
	_ =	sdelay $0x7  }
0x1b3: {  	v18 =	vpop (erf)  }
0x1b4: {  	v19 =	vpop (erf)  }
0x1b5: {  	v19 =	vadd.f32 $1.000000000e+00, v19;
	_ =	sdelay $0x1  }
0x1b6: {  	(erf) = vrcp.f32 v19;
	_ =	sdelay $0x8  }
0x1b7: {  	v18 =	vadd.f32 $-5.000000000e-01, v18;
	v19 =	vpop (erf)  }
0x1b8: {  	v19 =	vadd.f32 $-5.000000000e-01, v19  }
0x1b9: {  	v20 =	vand.u32 $0x7FFFFFFF, v18  }
0x1ba: {  	(xrf2) =	vadd.scan.msk.f32 $0xffff, v20;
	v53 =	vand.u32 $0x7FFFFFFF, v19  }
0x1bb: {  	(xrf2) =	vadd.scan.msk.f32 $0xffff, v53;
	_ =	sdelay $0x3  }
0x1bc: {  	v54 =	vld [tilespmem:$0x18E90];
	_ =	sdelay $0x4  }
0x1bd: {  	(v2sf) =	vpush v54, $0xF;
	v21, _, _ =	vpop (xrf2)  }
0x1be: {  	(v2sf) =	vpush v21, $0xF;
	v55, _, _ =	vpop (xrf2)  }
0x1bf: {  	(v2sf) =	vpush v55, $0xF;
	_ =	sdelay $0xc  }
0x1c0: {  	s0 =	spop (v2sf)  }
0x1c1: {  	s3 =	spop (v2sf)  }
0x1c2: {  	s24 =	spop (v2sf)  }
0x1c3: {  	s3 =	sadd.f32 s24, s3;
	_ =	sdelay $0x1  }
0x1c4: {  	v56 =	vmov s3  }
0x1c5: {  	v20 =	vadd.f32 $9.999999930e-09, v56;
	_ =	sdelay $0x1  }
0x1c6: {  	v57 =	vld [tilespmem:$0x18E80];
	v20 =	vbroadcast v20, $0x0  }
0x1c7: {  	v22 =	vld [tilespmem:$0x18F00]  }
0x1c8: {  	v23 =	vld [tilespmem:$0x18F80];
	(erf) = vrcp.f32 v20  }
0x1c9: {  	v58 =	vld [tilespmem:$0x18E90]  }
0x1ca: {  	v24 =	vld [tilespmem:$0x18F10]  }
0x1cb: {  	v25 =	vld [tilespmem:$0x18F90]  }
0x1cc: {  	v59 =	vld [tilespmem:$0x18F80];
	[tilespmem:$0x18B80] =	vst v57  }
0x1cd: {  	v60 =	vld [tilespmem:$0x18F90];
	[tilespmem:$0x18C80] =	vst v22  }
0x1ce: {  	[tilespmem:$0x18D80] =	vst v23  }
0x1cf: {  	[tilespmem:$0x18B90] =	vst v58  }
0x1d0: {  	[tilespmem:$0x18C90] =	vst v24  }
0x1d1: {  	[tilespmem:$0x18D90] =	vst v25;
	v61 =	vadd.s32 s23, v59;
	v62 =	vpop (erf)  }
0x1d2: {  	v63 =	vadd.s32 s23, v60;
	[tilespmem:$0x19080] =	vst v61;
	v18 =	vmul.f32 v62, v18  }
0x1d3: {  	[tilespmem:$0x19090] =	vst v63;
	v19 =	vmul.f32 v62, v19  }
0x1d4: {  	s22 =	sadd.s32 $0x1, s22;
	[tilespmem:$0x19000] =	vst v18  }
0x1d5: {  	p0 =	sne.s32 s22, $0x4;
	[tilespmem:$0x19010] =	vst v19  }
0x1d6: {  	[hbm4b:s5+s18] =	stream.indirect.scatter [tilespmem:s20], [sflag:$0x2], $0x1, s19, s18, $0xb8;
	[tilespmem:$0x19100] =	vst v63  }
.Ltmp22:
0x1d7: {  	[smem:$0x80] =	sst s0;
	(pc) =	sbr.rel @p0 .LBB2_2-.Ltmp22, $4  }
.Ltmp23:
0x1d8: {  	[smem:$0x0] =	sst s18;
	(pc) =	sbr.rel @!p0 .LBB2_33-.Ltmp23, $4  }
0x1d9: {  	_ =	swait.ge [sflag:s21], $0x20  }
0x1da: {  	[sflag:s21] =	ssyncset.done $0x0  }
0x1db: {  	[sflag:s21] =	ssyncadd.s32 $0xFFFFFFE0  }
0x1dc: {  	_ = 	snop  }
.LBB2_8:
.Ltmp24:
0x1dd: {  	(pc) =	sbr.rel .LBB2_12-.Ltmp24, $2  }
0x1de: {  	_ =	sdelay $0x2  }
0x1df: {  	s28 =	simm.s32 $0x200  }
.LBB2_10:
.Ltmp25:
0x1e0: {  	(pc) =	sbr.rel .LBB2_12-.Ltmp25, $2  }
0x1e1: {  	_ =	sdelay $0x2  }
0x1e2: {  	s28 =	simm.s32 $0x200  }
.LBB2_34:
0x1e3: {  	_ =	sfence.sel $0x180000  }
0x1e4: {  	[bflag:$0x0] =	sbarrier.arrive $0xFFFF  }
0x1e5: {  	_ =	strace $0x90000047  }
0x1e6: {  	s0 =	stileid.u32;
	[bflag:$0x2] =	sbarrier.arrive $0xFFFF  }
0x1e7: {  	p0 =	sne.s32 s0, $0x0;
	s0 =	rddreg [dreg:$0x2]  }
0x1e8: {  	s0 =	sadd.s32 @!p0 $0x100000, s0  }
0x1e9: {  	[sflag:s0] =	ssyncadd.tile.s32 @!p0 $0x1;
	_ =	shalt  }
.Lfunc_end2:
_tile_overlayer_lowered:
.L_overlay_start_2:
0x1ea: {  	(tag) =	ssettag $0x2  }
0x1eb: {  	s0 =	rddreg [dreg:$0x0];
	s2 =	stileid.u32  }
0x1ec: {  	s1 =	rddreg [dreg:$0x1];
	p0 =	sne.s32 s2, $0x0  }
0x1ed: {  	s3 =	rddreg [dreg:$0x2];
	[bflag:$0x3] =	sbarrier.arrive $0xFFFF;
	s2 =	simm.s32 @!p0 $0x1C03  }
0x1ee: {  	[timem:s3], [sflag:s2] =	dma.local @!p0 [hbm:s0], s1  }
0x1ef: {  	s0 =	simm.s32 @!p0 $0x3  }
0x1f0: {  	_ =	swait.ge @!p0 [sflag:s0], s1  }
0x1f1: {  	s1 =	ssub.s32 @!p0 $0x0, s1;
	[sflag:s0] =	ssyncset.done @!p0 $0x0  }
0x1f2: {  	[sflag:s0] =	ssyncadd.s32 @!p0 s1  }
0x1f3: {  	[bflag:$0x3] =	sbarrier.arrive $0xFFFF  }
0x1f4: {  	_ =	shalt  }

// kernel: sparse-core-data-format-call.cloned.1.call-start
scs
called_computation_lowered:
.L_overlay_start_0:
0x0: {  	s2 =	sld [smem:$0x3FD9]  }
0x1: {  	s3 =	sld [smem:$0x3FFE];
	_ =	sdelay $0x1  }
0x2: {  	s1 =	srdreg.scid  }
0x3: {  	s0 =	sand.u32 $0x1, s1  }
0x4: {  	s18 =	sshll.u32 s0, $0xA;
	s2 =	sadd.s32 s3, s2  }
0x5: {  	s2 =	sadd.s32 s2, s18  }
0x6: {  	[smem:$0x3FC7] =	sst s2  }
0x7: {  	_ = 	snop  }
0x8: {  	s2 =	sld [smem:$0x3FD0];
	(tm) =	ssettm $0x1  }
0x9: {  	s19 =	sld [smem:$0x3FFB];
	_ =	sdelay $0x3  }
0xa: {  	_ =	strace s19  }
0xb: {  	s3 =	sld [smem:$0x3FFC];
	_ =	sdelay $0x3  }
0xc: {  	_ =	strace s3  }
0xd: {  	s3 =	sld [smem:$0x3FFD];
	_ =	sdelay $0x3  }
0xe: {  	_ =	strace s3  }
0xf: {  	_ =	strace $0x8FFFFFFF  }
0x10: {  	s20 =	sld [smem:$0x3FDB];
	_ =	sdelay $0x1  }
0x11: {  	s4 =	simm.s32 $_scs_section_size  }
0x12: {  	s5 =	simm.s32 $_size__tile_overlayer_lowered;
	s6 =	simm.s32 $_tile_overlayer_lowered  }
0x13: {  	s23 =	simm.s32 $0x1BFF;
	s22 =	sshll.u32 s6, $0x1;
	s3 =	sadd.s32 s4, s20  }
0x14: {  	s7 =	simm.s32 $0x0;
	s21 =	sshll.u32 s5, $0x1;
	s5 =	sadd.s32 s22, s3  }
0x15: {  	[timem:s7], [sflag:s23] =	dma.local [hbm:s5], s21  }
0x16: {  	_ =	swait.ge [sflag:s23], s21  }
0x17: {  	s4 =	ssub.s32 $0x0, s21;
	[sflag:s23] =	ssyncset.done $0x0  }
0x18: {  	[sflag:s23] =	ssyncadd.s32 s4;
	_ =	sdelay $0x1  }
0x19: {  	s24 =	simm.s32 $0x1B8B  }
0x1a: {  	_ =	swait.ge [sflag:s24], $0x1  }
0x1b: {  	[sflag:s24] =	ssyncset.done $0x0  }
0x1c: {  	s26 =	simm.s32 $0x1B8E;
	s25 =	sld [smem:$0x3FFE];
	[sflag:s24] =	ssyncadd.s32 $0xFFFFFFFF  }
0x1d: {  	s27 =	simm.s32 $execute0_lowered;
	[smem:$0x3FD2] =	sst s26  }
0x1e: {  	s5 =	sshll.u32 s27, $0x1;
	_ =	strace $0x80000049;
	[dreg:$0x1] =	wrdreg $0xFFFFFFFF  }
0x1f: {  	s28 =	simm.s32 $_size_execute0_lowered;
	s3 =	sadd.s32 s3, s5;
	[dreg:$0x0] =	wrdreg $0x0  }
0x20: {  	s5 =	sshll.u32 s28, $0x1;
	[dreg:$0x2] =	wrdreg s3  }
0x21: {  	[dreg:$0x3] =	wrdreg s5  }
0x22: {  	[dreg:$0x4] =	wrdreg $0xC0  }
0x23: {  	_ =	task [dreg:s7], $0x5FFFF  }
0x24: {  	[dreg:$0x1] =	wrdreg $0xFFFFFFFF  }
0x25: {  	[dreg:$0x0] =	wrdreg $0x60  }
0x26: {  	[dreg:$0x2] =	wrdreg s25  }
0x27: {  	[dreg:$0x3] =	wrdreg s2  }
0x28: {  	[dreg:$0x4] =	wrdreg $0x9  }
0x29: {  	_ =	task.clear_ibuf [dreg:s7], $0x5FFFF;
	_ =	strace $0x90000049  }
0x2a: {  	s29 =	simm.s32 $0x9;
	_ =	strace $0x8000004B  }
0x2b: {  	_ =	swait.ge [sflag:s29], $0x1  }
0x2c: {  	[sflag:s29] =	ssyncadd.s32 $0xFFFFFFFF  }
0x2d: {  	_ =	strace $0x9000004B  }
0x2e: {  	_ =	sfence  }
0x2f: {  	s30 =	sld [smem:$0x0];
	_ =	sdelay $0x2  }
0x30: {  	s31 =	sshll.u32 s1, $0xD;
	s1 =	sshrl.u32 s1, $0x2  }
0x31: {  	s3 =	sand.u32 $0x4000, s31;
	s1 =	sadd.s32 s1, s30  }
0x32: {  	s0 =	sor.u32 s3, s0;
	s1 =	sshll.u32 s1, $0x11  }
0x33: {  	s0 =	sor.u32 s1, s0  }
0x34: {  	s0 =	sadd.s32 $0x8F2B, s0  }
0x35: {  	[sflag:s0] =	ssyncadd.remote.s32 $0x1  }
0x36: {  	_ =	sfence.sel $0xFFFF  }
0x37: {  	[dreg:$0x0] =	wrdreg $0xFFFFFFFF;
	(pc) =	sbr.abs _section_cstart, $3  }
0x38: {  	[dreg:$0x1] =	wrdreg $0xFFFFFFFF  }
0x39: {  	_ =	task.clear_ibuf [dreg:s7], $0x2FFFF;
	_ =	strace $0x9FFFFFFF  }
0x3a: {  	(tm) =	ssettm $0x7FFFFFFF  }
0x3b: {  	_ =	shalt  }
tec
execute0_lowered:
.L_overlay_start_1:
0x0: {  	(tag) =	ssettag $0x1  }
0x1: {  	s4 =	rddreg [dreg:$0x0]  }
0x2: {  	s0 =	srdreg.scid;
	s2 =	rddreg [dreg:$0x1]  }
0x3: {  	s1 =	stileid.u32;
	s5 =	simm.s32 $0x1;
	s7 =	simm.s32 $0x2  }
0x4: {  	s14 =	simm.s32 $0x0;
	p0 =	por $0x0, $0x0;
	s0 =	sshll.u32 s0, $0x4  }
0x5: {  	s13 =	simm.s32 $0x0;
	s8 =	simm.s32 $0x0;
	s3 =	sand.u32 $0x10, s0  }
.Ltmp0:
0x6: {  	s9 =	simm.s32 $0x0;
	s3 =	sor.u32 s1, s3;
	(pc) =	sbr.rel .LBB1_1-.Ltmp0, $4  }
0x7: {  	s11 =	simm.s32 $0x0;
	s12 =	simm.s32 $0x0;
	s3 =	sshll.u32 s3, $0x7  }
0x8: {  	s0 =	rddreg [dreg:$0x2];
	_ =	strace $0x8000004A;
	s6 =	ssub.s32 $0x18680, s3  }
0x9: {  	s4 =	sadd.s32 $0xA00, s4;
	[sflag:s5] =	ssyncpa.u1 $0x0;
	s6 =	sshrl.u32 s6, $0xC  }
0xa: {  	[sflag:s7] =	ssyncpa.u1 $0x0;
	s10 =	smov.u32 s3;
	s7 =	sadd.s32 $0x2, s6  }
.LBB1_5:
0xb: {  	p1 =	slt.u32 s12, $0x2  }
0xc: {  	p2 =	sgt.s32 @!p1 s14, $0x18620  }
0xd: {  	s15 =	smov.u32 s14;
	s16 =	sshra.s32 @!p1 s14, $0x1F;
	p2 =	por !p2, p1  }
0xe: {  	s14 =	sand.u32 @!p1 s16, s14;
	s15 =	simm.s32 @p2 $0x18620  }
0xf: {  	s14 =	ssub.s32 @!p1 s15, s14;
	s15 =	ssub.s32 @!p1 $0x0, s13  }
0x10: {  	s17 =	smov.u32 s11;
	s16 =	sadd.s32 @!p1 $0xFFFE79E0, s14;
	s13 =	smin.u32 @!p1 s13, s15  }
0x11: {  	s14 =	ssub.s32 @!p1 $0x186A0, s14;
	p2 =	sgt.s32 @!p1 s16, $0x7F;
	p3 =	sgt.s32 @!p1 s13, $0x7F  }
0x12: {  	s13 =	ssub.s32 @!p1 $0x80, s13;
	p2 =	por !p2, p1;
	p3 =	por !p3, p1  }
0x13: {  	s15 =	sadd.s32 $0x1000, s10;
	s14 =	simm.s32 @!p2 $0x0;
	s13 =	simm.s32 @!p3 $0x0  }
0x14: {  	p2 =	sgt.s32 s15, $0x1869F;
	s13 =	smul.u32 @!p1 s13, s14;
	s14 =	sadd.s32 $0x80, s11  }
0x15: {  	s17 =	smov.u32 @p2 s14  }
0x16: {  	s15 =	smov.u32 @p2 s3;
	p2 =	sgt.s32 s17, $0x7F  }
0x17: {  	s17 =	simm.s32 @p2 $0x0;
	p2 =	sne.s32 s12, s7  }
.Ltmp1:
0x18: {  	p0 =	por !p0, !p0;
	s16 =	simm.s32 @!p1 $0x2;
	(pc) =	sbr.rel @!p2 .LBB1_6-.Ltmp1, $4  }
0x19: {  	s14 =	smov.u32 s8;
	s8 =	smov.u32 s10;
	s13 =	sand.u32 @!p1 $0x3FFFFFFF, s13  }
0x1a: {  	s10 =	smov.u32 s15;
	_ =	swait.ge @!p1 [sflag:s16], s13;
	s18 =	ssub.s32 @!p1 $0x0, s13  }
0x1b: {  	s13 =	smov.u32 s9;
	s12 =	sadd.s32 $0x1, s12;
	[sflag:s16] =	ssyncset.done @!p1 $0x0  }
0x1c: {  	s9 =	smov.u32 s11;
	s11 =	smov.u32 s17;
	[sflag:s16] =	ssyncadd.s32 @!p1 s18  }
.LBB1_1:
0x1d: {  	p1 =	sgt.u32 s12, s6  }
0x1e: {  	s15 =	sshrl.u32 @!p1 s11, $0x3  }
0x1f: {  	s16 =	sshll.u32 @!p1 s10, $0x3;
	s15 =	smul.u32 @!p1 $0xC3800, s15  }
0x20: {  	s17 =	sshll.u32 @!p1 s11, $0x7;
	s16 =	sand.u32 @!p1 $0xFFFFFC00, s16  }
0x21: {  	s15 =	sadd.s32 @!p1 s15, s16;
	s16 =	sand.u32 @!p1 $0x380, s17  }
0x22: {  	s17 =	sand.u32 @!p1 $0x7F, s10;
	s15 =	sor.u32 @!p1 s16, s15  }
0x23: {  	s16 =	sor.u32 @!p1 s17, s15  }
0x24: {  	s17 =	smulhi.u32 @!p1 $0xA79C7B17, s16;
	_ =	sdelay $0x1  }
0x25: {  	s15 =	smulhi.u32 @!p1 $0xA79C7B17, s15;
	s17 =	sshrl.u32 @!p1 s17, $0x10  }
0x26: {  	s17 =	smul.u32 @!p1 $0x18700, s17  }
0x27: {  	s18 =	sxor.u32 @!p1 $0xFFFFFFFF, s12;
	s15 =	sshrl.u32 @!p1 s15, $0x10  }
0x28: {  	s18 =	sshll.u32 @!p1 s18, $0xE;
	s15 =	sand.u32 @!p1 $0x7F, s15;
	s16 =	ssub.s32 @!p1 s16, s17  }
0x29: {  	s15 =	smul.u32 @!p1 $0x30E0, s15;
	s17 =	sshrl.u32 @!p1 s16, $0x3;
	s16 =	sand.u32 @!p1 $0x7, s16  }
0x2a: {  	s18 =	sand.u32 @!p1 $0x4000, s18;
	s17 =	sadd.s32 @!p1 s4, s17;
	s16 =	sshll.u32 @!p1 s16, $0x12  }
0x2b: {  	s15 =	sadd.s32 @!p1 s15, s17;
	s16 =	sor.u32 @!p1 $0x400, s16;
	s17 =	simm.s32 @!p1 $0xC3800  }
0x2c: {  	[tilespmem:s18], [sflag:$0x1] =	stream.strided.gather @!p1 [hbm4b:s15+s16], $0x4000, s17, s16, $0x38;
	[tilespmem:$0x10100] =	vst v63  }
0x2d: {  	p1 =	seq.s32 s12, $0x0  }
0x2e: {  	p2 =	sge.u32 @!p1 s12, s7  }
0x2f: {  	p1 =	por p1, p2  }
.Ltmp2:
0x30: {  	_ = 	snop;
	(pc) =	sbr.rel @p1 .LBB1_5-.Ltmp2, $1  }
0x31: {  	_ =	sdelay $0x3  }
0x32: {  	s15 =	simm.s32 $0x1  }
0x33: {  	_ =	swait.ge [sflag:s5], $0x4000;
	s15 =	simm.s32 @!p0 $0x0  }
0x34: {  	[sflag:s5] =	ssyncset.done $0x0;
	s16 =	sshll.u32 s15, $0xE  }
0x35: {  	[sflag:s5] =	ssyncadd.s32 $0xFFFFC000;
	s16 =	sor.u32 $0x40, s16  }
0x36: {  	s15 =	smul.u32 $0x10200, s15;
	v0 =	vld [tilespmem:s16+$0x30]  }
0x37: {  	v1 =	vld [tilespmem:s16+$0xFFFFFFD0]  }
0x38: {  	s15 =	sshrl.u32 s15, $0x2;
	v5 =	vld [tilespmem:s16+$0xFFFFFFE0]  }
0x39: {  	v6 =	vld [tilespmem:s16+$0xFFFFFFF0];
	s18 =	sor.u32 $0x8000, s15  }
0x3a: {  	s31 =	sand.u32 $0x1, s12;
	v4 =	vld [tilespmem:s16+$0x0];
	s17 =	sadd.s32 $0x0, s18  }
0x3b: {  	v3 =	vld [tilespmem:s16+$0x10];
	s15 =	smul.u32 $0x10200, s31;
	[tilespmem:s17+$0x3870 ss:$0x81] =	vst.msk $0xffff, v0  }
0x3c: {  	v2 =	vld [tilespmem:s16+$0x20];
	[tilespmem:s17+$0x810 ss:$0x81] =	vst.msk $0xffff, v1  }
0x3d: {  	s15 =	sshrl.u32 s15, $0x2;
	v0 =	vld [tilespmem:s16+$0xFFFFFFC0];
	[tilespmem:s17+$0x1020 ss:$0x81] =	vst.msk $0xffff, v5;
	s16 =	sadd.s32 $0x80, s16  }
0x3e: {  	s19 =	simm.s32 $0x4;
	s20 =	simm.s32 $0x8;
	s15 =	sor.u32 $0x8000, s15;
	[tilespmem:s17+$0x1830 ss:$0x81] =	vst.msk $0xffff, v6;
	v1 =	vld [tilespmem:s16+$0x30]  }
.LBB1_3:
0x3f: {  	p1 =	sne.s32 s20, $0x1FC;
	v5 =	vld [tilespmem:s16+$0xFFFFFFD0];
	[tilespmem:s17+$0x2040 ss:$0x81] =	vst.msk $0xffff, v4  }
0x40: {  	v6 =	vld [tilespmem:s16+$0xFFFFFFE0];
	[tilespmem:s17+$0x2850 ss:$0x81] =	vst.msk $0xffff, v3  }
0x41: {  	s21 =	sshra.s32 s19, $0x2;
	s19 =	smov.u32 s20;
	v7 =	vld [tilespmem:s16+$0xFFFFFFF0];
	[tilespmem:s17+$0x3060 ss:$0x81] =	vst.msk $0xffff, v2  }
.Ltmp3:
0x42: {  	v4 =	vld [tilespmem:s16+$0x0];
	[tilespmem:s17+$0x0 ss:$0x81] =	vst.msk $0xffff, v0;
	s17 =	sadd.s32 s21, s18;
	(pc) =	sbr.rel @p1 .LBB1_3-.Ltmp3, $4  }
0x43: {  	v3 =	vld [tilespmem:s16+$0x10];
	[tilespmem:s17+$0x3870 ss:$0x81] =	vst.msk $0xffff, v1  }
0x44: {  	[tilespmem:s17+$0x810 ss:$0x81] =	vst.msk $0xffff, v5;
	v2 =	vld [tilespmem:s16+$0x20]  }
0x45: {  	v0 =	vld [tilespmem:s16+$0xFFFFFFC0];
	[tilespmem:s17+$0x1020 ss:$0x81] =	vst.msk $0xffff, v6;
	s16 =	sadd.s32 $0x80, s16  }
0x46: {  	s20 =	sadd.s32 $0x4, s20;
	v1 =	vld [tilespmem:s16+$0x30];
	[tilespmem:s17+$0x1830 ss:$0x81] =	vst.msk $0xffff, v7  }
0x47: {  	s20 =	sshll.u32 s8, $0x7;
	s21 =	sshll.u32 s9, $0x3;
	s19 =	sshra.s32 s19, $0x2  }
0x48: {  	v5 =	vld [tilespmem:s16+$0xFFFFFFD0];
	[tilespmem:s17+$0x2040 ss:$0x81] =	vst.msk $0xffff, v4;
	p1 =	sgt.s32 s8, $0x18620;
	s22 =	sand.u32 $0xFFFFFC00, s20;
	s21 =	sand.u32 $0xFFFFFC00, s21  }
0x49: {  	v58 =	vld [tilespmem:s16+$0xFFFFFFE0];
	s24 =	sshra.s32 s8, $0x1F;
	s20 =	sand.u32 $0x380, s20;
	[tilespmem:s17+$0x2850 ss:$0x81] =	vst.msk $0xffff, v3;
	s21 =	sadd.s32 s21, s22  }
0x4a: {  	v59 =	vld [tilespmem:s16+$0xFFFFFFF0];
	s26 =	ssub.s32 $0x0, s9;
	s18 =	sadd.s32 s19, s18;
	[tilespmem:s17+$0x3060 ss:$0x81] =	vst.msk $0xffff, v2;
	s23 =	sor.u32 s20, s21  }
0x4b: {  	v60 =	vld [tilespmem:s16+$0x0];
	s28 =	smin.u32 s9, s26;
	s20 =	smov.u32 s8;
	[tilespmem:s17+$0x0 ss:$0x81] =	vst.msk $0xffff, v0;
	s19 =	sshrl.u32 s23, $0x7  }
0x4c: {  	v61 =	vld [tilespmem:s16+$0x10];
	s21 =	sand.u32 s24, s8;
	s20 =	simm.s32 @!p1 $0x18620;
	[tilespmem:s18+$0x3870 ss:$0x81] =	vst.msk $0xffff, v1;
	s25 =	smulhi.u32 $0x14F8B59, s19  }
0x4d: {  	v62 =	vld [tilespmem:s16+$0x20];
	s29 =	sshrl.u32 s9, $0x3;
	p2 =	sgt.s32 s28, $0x7F;
	s20 =	ssub.s32 s20, s21;
	[tilespmem:s18+$0x810 ss:$0x81] =	vst.msk $0xffff, v5  }
0x4e: {  	v63 =	vld [tilespmem:s16+$0xFFFFFFC0];
	[tilespmem:s18+$0x1020 ss:$0x81] =	vst.msk $0xffff, v58;
	s21 =	sadd.s32 $0xFFFE79E0, s20;
	s20 =	ssub.s32 $0x186A0, s20;
	s17 =	sshrl.u32 s25, $0x9  }
0x4f: {  	[tilespmem:s18+$0x1830 ss:$0x81] =	vst.msk $0xffff, v59;
	p1 =	sgt.s32 s21, $0x7F;
	s27 =	smul.u32 $0x186A0, s17;
	s17 =	ssub.s32 $0x80, s28  }
.Ltmp4:
0x50: {  	[tilespmem:s18+$0x2040 ss:$0x81] =	vst.msk $0xffff, v60;
	s20 =	simm.s32 @p1 $0x0;
	s17 =	simm.s32 @p2 $0x0;
	(pc) =	sbr.rel .LBB1_5-.Ltmp4, $4  }
0x51: {  	s30 =	sand.u32 $0xF, s29;
	[tilespmem:s18+$0x2850 ss:$0x81] =	vst.msk $0xffff, v61;
	s16 =	ssub.s32 s19, s27;
	s17 =	smul.u32 s17, s20  }
0x52: {  	[tilespmem:s18+$0x3060 ss:$0x81] =	vst.msk $0xffff, v62;
	s19 =	sadd.s32 s2, s30;
	s16 =	sshll.u32 s16, $0x4  }
0x53: {  	s31 =	sand.u32 $0x7, s9;
	[tilespmem:s18+$0x0 ss:$0x81] =	vst.msk $0xffff, v63;
	s17 =	sand.u32 $0x3FFFFFFF, s17;
	s16 =	sadd.s32 s16, s19  }
0x54: {  	[hbm4b:s16+s31] =	stream.linear.scatter [tilespmem:s15], [sflag:$0x2], s17, $0x20;
	[tilespmem:$0x10100] =	vst v63  }
.LBB1_6:
0x55: {  	_ =	sfence.sel $0x180000  }
0x56: {  	s2 =	simm.s32 $0x1;
	[bflag:$0x0] =	sbarrier.arrive $0xFFFF  }
0x57: {  	s31 =	simm.s32 $0x2;
	[sflag:s2] =	ssyncpa.u1 $0x1  }
0x58: {  	[sflag:s31] =	ssyncpa.u1 $0x1  }
0x59: {  	p0 =	sne.s32 s1, $0x0;
	_ =	strace $0x9000004A  }
0x5a: {  	s0 =	sadd.s32 @!p0 $0x100000, s0;
	[bflag:$0x2] =	sbarrier.arrive $0xFFFF  }
0x5b: {  	[sflag:s0] =	ssyncadd.tile.s32 @!p0 $0x1;
	_ =	shalt  }
.Lfunc_end1:
_tile_overlayer_lowered:
.L_overlay_start_2:
0x5c: {  	(tag) =	ssettag $0x2  }
0x5d: {  	s0 =	rddreg [dreg:$0x0];
	s2 =	stileid.u32  }
0x5e: {  	s1 =	rddreg [dreg:$0x1];
	p0 =	sne.s32 s2, $0x0  }
0x5f: {  	s3 =	rddreg [dreg:$0x2];
	[bflag:$0x3] =	sbarrier.arrive $0xFFFF;
	s2 =	simm.s32 @!p0 $0x1C01  }
0x60: {  	[timem:s3], [sflag:s2] =	dma.local @!p0 [hbm:s0], s1  }
0x61: {  	s0 =	simm.s32 @!p0 $0x1  }
0x62: {  	_ =	swait.ge @!p0 [sflag:s0], s1  }
0x63: {  	s1 =	ssub.s32 @!p0 $0x0, s1;
	[sflag:s0] =	ssyncset.done @!p0 $0x0  }
0x64: {  	[sflag:s0] =	ssyncadd.s32 @!p0 s1  }
0x65: {  	[bflag:$0x3] =	sbarrier.arrive $0xFFFF  }
0x66: {  	_ =	shalt  }

</sc_bundles>
